<compile_context>
chip_gen: v7x
topology: tpu7x:2x2x1
jax: 0.10.2.dev20260603
libtpu: 0.0.44.dev20260713+nightly
codegen_flags: <defaults>
</compile_context>

<pallas_src>
import functools

import jax
import jax.numpy as jnp
from jax import lax
from jax.experimental import pallas as pl
from jax.experimental.pallas import tpu as pltpu
from jax.experimental.pallas import tpu_sc as plsc

_BATCH = 16384
_DIM = 32
_NW = 32
_BPW = _BATCH // _NW
_GROUPS = _BPW // 16


def _body(samples_hbm, user_emb, game_emb, user_bias, game_bias, out_hbm,
          samp_v, idxu_v, idxg_v, idxub_v, idxgb_v,
          urows_v, grows_v, ubrows_v, gbrows_v, out_v, sem):
    wid = lax.axis_index("s") * 2 + lax.axis_index("c")
    base = wid * _BPW

    pltpu.sync_copy(samples_hbm.at[pl.ds(base, _BPW)], samp_v)

    def deint(i, _):
        ids = lax.iota(jnp.int32, 16) + i * 16
        zero = jnp.zeros((16,), jnp.int32)
        one = jnp.ones((16,), jnp.int32)
        u = plsc.load_gather(samp_v, [ids, zero])
        g = plsc.load_gather(samp_v, [ids, one])
        idxu_v[pl.ds(i * 16, 16)] = u
        idxg_v[pl.ds(i * 16, 16)] = g
        idxub_v[pl.ds(i * 16, 16)] = u >> 4
        idxgb_v[pl.ds(i * 16, 16)] = g >> 4
        return 0
    lax.fori_loop(0, _GROUPS, deint, 0)

    c1 = pltpu.async_copy(user_emb.at[idxu_v], urows_v, sem)
    c1.wait()

    def dot_group(i, _):
        ids = lax.iota(jnp.int32, 16) + i * 16
        lane_u = idxu_v[pl.ds(i * 16, 16)] & 15
        lane_g = idxg_v[pl.ds(i * 16, 16)] & 15
        acc = plsc.load_gather(ubrows_v, [ids, lane_u]) + \
            plsc.load_gather(gbrows_v, [ids, lane_g])
        lanes = lax.iota(jnp.int32, 16)
        for t in range(_DIM):
            dd = (lanes + t) & (_DIM - 1)
            acc = acc + (plsc.load_gather(urows_v, [ids, dd]) *
                         plsc.load_gather(grows_v, [ids, dd]))
        out_v[pl.ds(i * 16, 16)] = acc
        return 0
    lax.fori_loop(0, 1, dot_group, 0)

    pltpu.sync_copy(out_v, out_hbm.at[pl.ds(base, _BPW)])


@jax.jit
def _run(samples, user_emb, game_emb, user_bias16, game_bias16):
    mesh = plsc.VectorSubcoreMesh(core_axis_name="c", subcore_axis_name="s")
    f = functools.partial(
        pl.kernel,
        mesh=mesh,
        out_type=jax.ShapeDtypeStruct((_BATCH,), jnp.float32),
        compiler_params=pltpu.CompilerParams(
            needs_layout_passes=False, use_tc_tiling_on_sc=False),
        scratch_types=[
            pltpu.VMEM((_BPW, 2), jnp.int32),
            pltpu.VMEM((_BPW,), jnp.int32),
            pltpu.VMEM((_BPW,), jnp.int32),
            pltpu.VMEM((_BPW,), jnp.int32),
            pltpu.VMEM((_BPW,), jnp.int32),
            pltpu.VMEM((_BPW, _DIM), jnp.float32),
            pltpu.VMEM((_BPW, _DIM), jnp.float32),
            pltpu.VMEM((_BPW, 16), jnp.float32),
            pltpu.VMEM((_BPW, 16), jnp.float32),
            pltpu.VMEM((_BPW,), jnp.float32),
            pltpu.SemaphoreType.DMA,
        ],
    )(_body)
    return f(samples, user_emb, game_emb, user_bias16, game_bias16)


def kernel(samples, user_emb, game_emb, user_bias, game_bias):
    samples_i32 = samples.astype(jnp.int32)
    ub16 = user_bias.reshape(user_bias.shape[0] // 16, 16)
    gb16 = game_bias.reshape(game_bias.shape[0] // 16, 16)
    return _run(samples_i32, user_emb, game_emb, ub16, gb16)

# --- scband reference (transcript-rebuilt; emitter-appended) ---
"""Pipeline reference for scband-game-recs-bias-14525579395496 (READ-ONLY COPY).

The authoritative reference and input builder live on the scoring server;
editing this copy changes nothing except your own understanding.
"""

import jax, jax.numpy as jnp
import numpy as np

N_USERS = 1000000
N_GAMES = 1000000
EMB_DIM = 32
BATCH = 16384


def _xavier_uniform(key, shape):
    fan_in, fan_out = shape[1], shape[0]
    limit = float(np.sqrt(6.0 / (fan_in + fan_out)))
    return jax.random.uniform(key, shape, dtype=jnp.float32, minval=-limit, maxval=limit)


def setup_inputs(seed: int = 0) -> dict:
    key = jax.random.key(seed)
    k1, k2, k3 = jax.random.split(key, 3)
    samples = jax.random.randint(k1, (BATCH, 2), 0, min(N_USERS, N_GAMES), dtype=jnp.int64)
    user_emb = _xavier_uniform(k2, (N_USERS, EMB_DIM))
    game_emb = _xavier_uniform(k3, (N_GAMES, EMB_DIM))
    user_bias = jnp.zeros((N_USERS, 1), dtype=jnp.float32)
    game_bias = jnp.zeros((N_GAMES, 1), dtype=jnp.float32)
    return {
        "samples": samples,
        "user_emb": user_emb,
        "game_emb": game_emb,
        "user_bias": user_bias,
        "game_bias": game_bias,
    }


def reference(samples, user_emb, game_emb, user_bias, game_bias):
    u_idx = samples[:, 0]
    g_idx = samples[:, 1]
    users = jnp.take(user_emb, u_idx, axis=0)
    games = jnp.take(game_emb, g_idx, axis=0)
    dot = jnp.sum(users * games, axis=1)
    user_b = jnp.take(user_bias, u_idx, axis=0).squeeze(-1)
    game_b = jnp.take(game_bias, g_idx, axis=0).squeeze(-1)
    return dot + user_b + game_b

if __name__ == "__main__":
    import jax
    _d = setup_inputs()
    print(jax.jit(kernel)(*tuple(_d.values())))

</pallas_src>

<mosaic_0001>
#map = affine_map<(d0, d1) -> (0, 0)>
#map1 = affine_map<(d0, d1) -> (0)>
module attributes {stable_mosaic.version = 14 : i64} {
  func.func @_body(%arg0: i32, %arg1: i32, %arg2: memref<16384x2xi32, #tpu.memory_space<hbm>>, %arg3: memref<1000000x32xf32, #tpu.memory_space<hbm>>, %arg4: memref<1000000x32xf32, #tpu.memory_space<hbm>>, %arg5: memref<62500x16xf32, #tpu.memory_space<hbm>>, %arg6: memref<62500x16xf32, #tpu.memory_space<hbm>>, %arg7: memref<16384xf32, #tpu.memory_space<hbm>>, %arg8: memref<512x2xi32, #tpu.memory_space<vmem>>, %arg9: memref<512xi32, #tpu.memory_space<vmem>>, %arg10: memref<512xi32, #tpu.memory_space<vmem>>, %arg11: memref<512xi32, #tpu.memory_space<vmem>>, %arg12: memref<512xi32, #tpu.memory_space<vmem>>, %arg13: memref<512x32xf32, #tpu.memory_space<vmem>>, %arg14: memref<512x32xf32, #tpu.memory_space<vmem>>, %arg15: memref<512x16xf32, #tpu.memory_space<vmem>>, %arg16: memref<512x16xf32, #tpu.memory_space<vmem>>, %arg17: memref<512xf32, #tpu.memory_space<vmem>>, %arg18: memref<!tpu.dma_semaphore, #tpu.memory_space<semaphore_mem>>) attributes {dimension_semantics = [#tpu.dimension_semantics<core_parallel>, #tpu.dimension_semantics<subcore_parallel>], iteration_bounds = array<i64: 2, 16>, scalar_prefetch = 0 : i64, scratch_operands = 11 : i64, tpu.core_type = #tpu.core_type<sc_vector_subcore>, window_params = [{transform_indices = #map}, {transform_indices = #map}, {transform_indices = #map}, {transform_indices = #map}, {transform_indices = #map}, {transform_indices = #map1}]} {
    %mul3A = arith.constant 2 : i32
    %mul3A_0 = arith.muli %arg1, %mul3A : i32
    %add3A = arith.addi %mul3A_0, %arg0 : i32
    %mul3A_1 = arith.constant 512 : i32
    %mul3A_2 = arith.muli %add3A, %mul3A_1 : i32
    "tpu.region"() ({
      %run_scoped3A = tpu.sem_alloc : memref<!tpu.dma_semaphore, #tpu.memory_space<semaphore_mem>>
      %dma_start3A_359 = arith.constant 0 : i32
      %dma_start3A_360 = tpu.memref_slice %arg2[%mul3A_2, %dma_start3A_359] : memref<16384x2xi32, #tpu.memory_space<hbm>> -> memref<512x2xi32, #tpu.memory_space<hbm>>
      %dma_start3A_361 = arith.constant 0 : i32
      %dma_start3A_362 = tpu.memref_slice %arg2[%mul3A_2, %dma_start3A_361] : memref<16384x2xi32, #tpu.memory_space<hbm>> -> memref<512x2xi32, #tpu.memory_space<hbm>>
      tpu.enqueue_dma source(%dma_start3A_362 : memref<512x2xi32, #tpu.memory_space<hbm>>) target(%arg8 : memref<512x2xi32, #tpu.memory_space<vmem>>) target_semaphore(%run_scoped3A : memref<!tpu.dma_semaphore, #tpu.memory_space<semaphore_mem>>)
      %dma_wait3A_363 = arith.constant 0 : i32
      %dma_wait3A_364 = tpu.memref_slice %arg2[%mul3A_2, %dma_wait3A_363] : memref<16384x2xi32, #tpu.memory_space<hbm>> -> memref<512x2xi32, #tpu.memory_space<hbm>>
      %dma_wait3A_365 = arith.constant 0 : i32
      %dma_wait3A_366 = tpu.memref_slice %arg2[%mul3A_2, %dma_wait3A_365] : memref<16384x2xi32, #tpu.memory_space<hbm>> -> memref<512x2xi32, #tpu.memory_space<hbm>>
      tpu.wait_dma2 semaphore(%run_scoped3A : memref<!tpu.dma_semaphore, #tpu.memory_space<semaphore_mem>>) src(%dma_wait3A_366 : memref<512x2xi32, #tpu.memory_space<hbm>>) dst(%arg8 : memref<512x2xi32, #tpu.memory_space<vmem>>)
      tpu.yield
    }) : () -> ()
    %scan3A = arith.constant 0 : i32
    %scan3A_3 = arith.constant 0 : i32
    %scan3A_4 = arith.constant 32 : i32
    %scan3A_5 = arith.addi %scan3A_3, %scan3A_4 : i32
    %scan3A_6 = arith.constant 1 : i32
    %scan3A_7 = scf.for %scan3A_359 = %scan3A_3 to %scan3A_5 step %scan3A_6 iter_args(%scan3A_360 = %scan3A) -> (i32)  : i32 {
      %iota3A_361 = tpu.iota {dimensions = array<i32: 0>} : vector<16xi32>
      %mul3A_362 = arith.constant 16 : i32
      %mul3A_363 = arith.muli %scan3A_359, %mul3A_362 : i32
      %add3A_364 = vector.broadcast %mul3A_363 : i32 to vector<16xi32>
      %add3A_365 = arith.addi %iota3A_361, %add3A_364 : vector<16xi32>
      %broadcast_in_dim3A = arith.constant 0 : i32
      %broadcast_in_dim3A_366 = vector.broadcast %broadcast_in_dim3A : i32 to vector<16xi32>
      %broadcast_in_dim3A_367 = arith.constant 1 : i32
      %broadcast_in_dim3A_368 = vector.broadcast %broadcast_in_dim3A_367 : i32 to vector<16xi32>
      %gather3A_369 = tpu.vector_load_idx %arg8[%add3A_365, %broadcast_in_dim3A_366] : memref<512x2xi32, #tpu.memory_space<vmem>>[vector<16xi32>, vector<16xi32>], vector<16xi32>,
      %gather3A_370 = tpu.vector_load_idx %arg8[%add3A_365, %broadcast_in_dim3A_368] : memref<512x2xi32, #tpu.memory_space<vmem>>[vector<16xi32>, vector<16xi32>], vector<16xi32>,
      %mul3A_371 = arith.constant 16 : i32
      %mul3A_372 = arith.muli %scan3A_359, %mul3A_371 : i32
      %swap3A_373 = arith.index_cast %mul3A_372 : i32 to index
      %swap3A_374 = tpu.vector_load %arg9[%swap3A_373] {strides = array<i32>} : memref<512xi32, #tpu.memory_space<vmem>>, vector<16xi32>,
      tpu.vector_store %arg9[%swap3A_373], %gather3A_369 {strides = array<i32>} : memref<512xi32, #tpu.memory_space<vmem>>, vector<16xi32>,
      %mul3A_375 = arith.constant 16 : i32
      %mul3A_376 = arith.muli %scan3A_359, %mul3A_375 : i32
      %swap3A_377 = arith.index_cast %mul3A_376 : i32 to index
      %swap3A_378 = tpu.vector_load %arg10[%swap3A_377] {strides = array<i32>} : memref<512xi32, #tpu.memory_space<vmem>>, vector<16xi32>,
      tpu.vector_store %arg10[%swap3A_377], %gather3A_370 {strides = array<i32>} : memref<512xi32, #tpu.memory_space<vmem>>, vector<16xi32>,
      %shift_right_arithmetic3A = arith.constant 4 : i32
      %shift_right_arithmetic3A_379 = vector.broadcast %shift_right_arithmetic3A : i32 to vector<16xi32>
      %shift_right_arithmetic3A_380 = arith.shrsi %gather3A_369, %shift_right_arithmetic3A_379 : vector<16xi32>
      %mul3A_381 = arith.constant 16 : i32
      %mul3A_382 = arith.muli %scan3A_359, %mul3A_381 : i32
      %swap3A_383 = arith.index_cast %mul3A_382 : i32 to index
      %swap3A_384 = tpu.vector_load %arg11[%swap3A_383] {strides = array<i32>} : memref<512xi32, #tpu.memory_space<vmem>>, vector<16xi32>,
      tpu.vector_store %arg11[%swap3A_383], %shift_right_arithmetic3A_380 {strides = array<i32>} : memref<512xi32, #tpu.memory_space<vmem>>, vector<16xi32>,
      %shift_right_arithmetic3A_385 = arith.constant 4 : i32
      %shift_right_arithmetic3A_386 = vector.broadcast %shift_right_arithmetic3A_385 : i32 to vector<16xi32>
      %shift_right_arithmetic3A_387 = arith.shrsi %gather3A_370, %shift_right_arithmetic3A_386 : vector<16xi32>
      %mul3A_388 = arith.constant 16 : i32
      %mul3A_389 = arith.muli %scan3A_359, %mul3A_388 : i32
      %swap3A_390 = arith.index_cast %mul3A_389 : i32 to index
      %swap3A_391 = tpu.vector_load %arg12[%swap3A_390] {strides = array<i32>} : memref<512xi32, #tpu.memory_space<vmem>>, vector<16xi32>,
      tpu.vector_store %arg12[%swap3A_390], %shift_right_arithmetic3A_387 {strides = array<i32>} : memref<512xi32, #tpu.memory_space<vmem>>, vector<16xi32>,
      %scan3A_392 = arith.constant 0 : i32
      scf.yield %scan3A_392 : i32
    }
    %scan3A_8 = arith.constant 32 : i32
    %dma_start3A = arith.constant 0 : i32
    %dma_start3A_9 = arith.constant 0 : i32
    %dma_start3A_10 = tpu.memref_slice %arg3[%dma_start3A, %dma_start3A_9] : memref<1000000x32xf32, #tpu.memory_space<hbm>> -> memref<1000000x32xf32, #tpu.memory_space<hbm>>
    tpu.enqueue_indirect_dma source(%dma_start3A_10 : memref<1000000x32xf32, #tpu.memory_space<hbm>>) target(%arg13 : memref<512x32xf32, #tpu.memory_space<vmem>>) offsets(%arg9 : memref<512xi32, #tpu.memory_space<vmem>>) semaphore(%arg18 : memref<!tpu.dma_semaphore, #tpu.memory_space<semaphore_mem>>)
    %dma_wait3A = arith.constant 0 : i32
    %dma_wait3A_11 = arith.constant 0 : i32
    %dma_wait3A_12 = tpu.memref_slice %arg3[%dma_wait3A, %dma_wait3A_11] : memref<1000000x32xf32, #tpu.memory_space<hbm>> -> memref<1000000x32xf32, #tpu.memory_space<hbm>>
    tpu.wait_indirect_dma semaphore(%arg18 : memref<!tpu.dma_semaphore, #tpu.memory_space<semaphore_mem>>) src(%dma_wait3A_12 : memref<1000000x32xf32, #tpu.memory_space<hbm>>) dst(%arg13 : memref<512x32xf32, #tpu.memory_space<vmem>>)
    %scan3A_13 = arith.constant 0 : i32
    %scan3A_14 = arith.constant 0 : i32
    %iota3A = tpu.iota {dimensions = array<i32: 0>} : vector<16xi32>
    %mul3A_15 = arith.constant 16 : i32
    %mul3A_16 = arith.muli %scan3A_14, %mul3A_15 : i32
    %add3A_17 = vector.broadcast %mul3A_16 : i32 to vector<16xi32>
    %add3A_18 = arith.addi %iota3A, %add3A_17 : vector<16xi32>
    %mul3A_19 = arith.constant 16 : i32
    %mul3A_20 = arith.muli %scan3A_14, %mul3A_19 : i32
    %get3A = arith.index_cast %mul3A_20 : i32 to index
    %get3A_21 = tpu.vector_load %arg9[%get3A] {strides = array<i32>} : memref<512xi32, #tpu.memory_space<vmem>>, vector<16xi32>,
    %and3A = arith.constant 15 : i32
    %and3A_22 = vector.broadcast %and3A : i32 to vector<16xi32>
    %and3A_23 = arith.andi %get3A_21, %and3A_22 : vector<16xi32>
    %mul3A_24 = arith.constant 16 : i32
    %mul3A_25 = arith.muli %scan3A_14, %mul3A_24 : i32
    %get3A_26 = arith.index_cast %mul3A_25 : i32 to index
    %get3A_27 = tpu.vector_load %arg10[%get3A_26] {strides = array<i32>} : memref<512xi32, #tpu.memory_space<vmem>>, vector<16xi32>,
    %and3A_28 = arith.constant 15 : i32
    %and3A_29 = vector.broadcast %and3A_28 : i32 to vector<16xi32>
    %and3A_30 = arith.andi %get3A_27, %and3A_29 : vector<16xi32>
    %gather3A = tpu.vector_load_idx %arg15[%add3A_18, %and3A_23] : memref<512x16xf32, #tpu.memory_space<vmem>>[vector<16xi32>, vector<16xi32>], vector<16xf32>,
    %gather3A_31 = tpu.vector_load_idx %arg16[%add3A_18, %and3A_30] : memref<512x16xf32, #tpu.memory_space<vmem>>[vector<16xi32>, vector<16xi32>], vector<16xf32>,
    %add3A_32 = arith.addf %gather3A, %gather3A_31 : vector<16xf32>
    %iota3A_33 = tpu.iota {dimensions = array<i32: 0>} : vector<16xi32>
    %add3A_34 = arith.constant 0 : i32
    %add3A_35 = vector.broadcast %add3A_34 : i32 to vector<16xi32>
    %add3A_36 = arith.addi %iota3A_33, %add3A_35 : vector<16xi32>
    %and3A_37 = arith.constant 31 : i32
    %and3A_38 = vector.broadcast %and3A_37 : i32 to vector<16xi32>
    %and3A_39 = arith.andi %add3A_36, %and3A_38 : vector<16xi32>
    %gather3A_40 = tpu.vector_load_idx %arg13[%add3A_18, %and3A_39] : memref<512x32xf32, #tpu.memory_space<vmem>>[vector<16xi32>, vector<16xi32>], vector<16xf32>,
    %gather3A_41 = tpu.vector_load_idx %arg14[%add3A_18, %and3A_39] : memref<512x32xf32, #tpu.memory_space<vmem>>[vector<16xi32>, vector<16xi32>], vector<16xf32>,
    %mul3A_42 = arith.mulf %gather3A_40, %gather3A_41 : vector<16xf32>
    %add3A_43 = arith.addf %add3A_32, %mul3A_42 : vector<16xf32>
    %add3A_44 = arith.constant 1 : i32
    %add3A_45 = vector.broadcast %add3A_44 : i32 to vector<16xi32>
    %add3A_46 = arith.addi %iota3A_33, %add3A_45 : vector<16xi32>
    %and3A_47 = arith.constant 31 : i32
    %and3A_48 = vector.broadcast %and3A_47 : i32 to vector<16xi32>
    %and3A_49 = arith.andi %add3A_46, %and3A_48 : vector<16xi32>
    %gather3A_50 = tpu.vector_load_idx %arg13[%add3A_18, %and3A_49] : memref<512x32xf32, #tpu.memory_space<vmem>>[vector<16xi32>, vector<16xi32>], vector<16xf32>,
    %gather3A_51 = tpu.vector_load_idx %arg14[%add3A_18, %and3A_49] : memref<512x32xf32, #tpu.memory_space<vmem>>[vector<16xi32>, vector<16xi32>], vector<16xf32>,
    %mul3A_52 = arith.mulf %gather3A_50, %gather3A_51 : vector<16xf32>
    %add3A_53 = arith.addf %add3A_43, %mul3A_52 : vector<16xf32>
    %add3A_54 = arith.constant 2 : i32
    %add3A_55 = vector.broadcast %add3A_54 : i32 to vector<16xi32>
    %add3A_56 = arith.addi %iota3A_33, %add3A_55 : vector<16xi32>
    %and3A_57 = arith.constant 31 : i32
    %and3A_58 = vector.broadcast %and3A_57 : i32 to vector<16xi32>
    %and3A_59 = arith.andi %add3A_56, %and3A_58 : vector<16xi32>
    %gather3A_60 = tpu.vector_load_idx %arg13[%add3A_18, %and3A_59] : memref<512x32xf32, #tpu.memory_space<vmem>>[vector<16xi32>, vector<16xi32>], vector<16xf32>,
    %gather3A_61 = tpu.vector_load_idx %arg14[%add3A_18, %and3A_59] : memref<512x32xf32, #tpu.memory_space<vmem>>[vector<16xi32>, vector<16xi32>], vector<16xf32>,
    %mul3A_62 = arith.mulf %gather3A_60, %gather3A_61 : vector<16xf32>
    %add3A_63 = arith.addf %add3A_53, %mul3A_62 : vector<16xf32>
    %add3A_64 = arith.constant 3 : i32
    %add3A_65 = vector.broadcast %add3A_64 : i32 to vector<16xi32>
    %add3A_66 = arith.addi %iota3A_33, %add3A_65 : vector<16xi32>
    %and3A_67 = arith.constant 31 : i32
    %and3A_68 = vector.broadcast %and3A_67 : i32 to vector<16xi32>
    %and3A_69 = arith.andi %add3A_66, %and3A_68 : vector<16xi32>
    %gather3A_70 = tpu.vector_load_idx %arg13[%add3A_18, %and3A_69] : memref<512x32xf32, #tpu.memory_space<vmem>>[vector<16xi32>, vector<16xi32>], vector<16xf32>,
    %gather3A_71 = tpu.vector_load_idx %arg14[%add3A_18, %and3A_69] : memref<512x32xf32, #tpu.memory_space<vmem>>[vector<16xi32>, vector<16xi32>], vector<16xf32>,
    %mul3A_72 = arith.mulf %gather3A_70, %gather3A_71 : vector<16xf32>
    %add3A_73 = arith.addf %add3A_63, %mul3A_72 : vector<16xf32>
    %add3A_74 = arith.constant 4 : i32
    %add3A_75 = vector.broadcast %add3A_74 : i32 to vector<16xi32>
    %add3A_76 = arith.addi %iota3A_33, %add3A_75 : vector<16xi32>
    %and3A_77 = arith.constant 31 : i32
    %and3A_78 = vector.broadcast %and3A_77 : i32 to vector<16xi32>
    %and3A_79 = arith.andi %add3A_76, %and3A_78 : vector<16xi32>
    %gather3A_80 = tpu.vector_load_idx %arg13[%add3A_18, %and3A_79] : memref<512x32xf32, #tpu.memory_space<vmem>>[vector<16xi32>, vector<16xi32>], vector<16xf32>,
    %gather3A_81 = tpu.vector_load_idx %arg14[%add3A_18, %and3A_79] : memref<512x32xf32, #tpu.memory_space<vmem>>[vector<16xi32>, vector<16xi32>], vector<16xf32>,
    %mul3A_82 = arith.mulf %gather3A_80, %gather3A_81 : vector<16xf32>
    %add3A_83 = arith.addf %add3A_73, %mul3A_82 : vector<16xf32>
    %add3A_84 = arith.constant 5 : i32
    %add3A_85 = vector.broadcast %add3A_84 : i32 to vector<16xi32>
    %add3A_86 = arith.addi %iota3A_33, %add3A_85 : vector<16xi32>
    %and3A_87 = arith.constant 31 : i32
    %and3A_88 = vector.broadcast %and3A_87 : i32 to vector<16xi32>
    %and3A_89 = arith.andi %add3A_86, %and3A_88 : vector<16xi32>
    %gather3A_90 = tpu.vector_load_idx %arg13[%add3A_18, %and3A_89] : memref<512x32xf32, #tpu.memory_space<vmem>>[vector<16xi32>, vector<16xi32>], vector<16xf32>,
    %gather3A_91 = tpu.vector_load_idx %arg14[%add3A_18, %and3A_89] : memref<512x32xf32, #tpu.memory_space<vmem>>[vector<16xi32>, vector<16xi32>], vector<16xf32>,
    %mul3A_92 = arith.mulf %gather3A_90, %gather3A_91 : vector<16xf32>
    %add3A_93 = arith.addf %add3A_83, %mul3A_92 : vector<16xf32>
    %add3A_94 = arith.constant 6 : i32
    %add3A_95 = vector.broadcast %add3A_94 : i32 to vector<16xi32>
    %add3A_96 = arith.addi %iota3A_33, %add3A_95 : vector<16xi32>
    %and3A_97 = arith.constant 31 : i32
    %and3A_98 = vector.broadcast %and3A_97 : i32 to vector<16xi32>
    %and3A_99 = arith.andi %add3A_96, %and3A_98 : vector<16xi32>
    %gather3A_100 = tpu.vector_load_idx %arg13[%add3A_18, %and3A_99] : memref<512x32xf32, #tpu.memory_space<vmem>>[vector<16xi32>, vector<16xi32>], vector<16xf32>,
    %gather3A_101 = tpu.vector_load_idx %arg14[%add3A_18, %and3A_99] : memref<512x32xf32, #tpu.memory_space<vmem>>[vector<16xi32>, vector<16xi32>], vector<16xf32>,
    %mul3A_102 = arith.mulf %gather3A_100, %gather3A_101 : vector<16xf32>
    %add3A_103 = arith.addf %add3A_93, %mul3A_102 : vector<16xf32>
    %add3A_104 = arith.constant 7 : i32
    %add3A_105 = vector.broadcast %add3A_104 : i32 to vector<16xi32>
    %add3A_106 = arith.addi %iota3A_33, %add3A_105 : vector<16xi32>
    %and3A_107 = arith.constant 31 : i32
    %and3A_108 = vector.broadcast %and3A_107 : i32 to vector<16xi32>
    %and3A_109 = arith.andi %add3A_106, %and3A_108 : vector<16xi32>
    %gather3A_110 = tpu.vector_load_idx %arg13[%add3A_18, %and3A_109] : memref<512x32xf32, #tpu.memory_space<vmem>>[vector<16xi32>, vector<16xi32>], vector<16xf32>,
    %gather3A_111 = tpu.vector_load_idx %arg14[%add3A_18, %and3A_109] : memref<512x32xf32, #tpu.memory_space<vmem>>[vector<16xi32>, vector<16xi32>], vector<16xf32>,
    %mul3A_112 = arith.mulf %gather3A_110, %gather3A_111 : vector<16xf32>
    %add3A_113 = arith.addf %add3A_103, %mul3A_112 : vector<16xf32>
    %add3A_114 = arith.constant 8 : i32
    %add3A_115 = vector.broadcast %add3A_114 : i32 to vector<16xi32>
    %add3A_116 = arith.addi %iota3A_33, %add3A_115 : vector<16xi32>
    %and3A_117 = arith.constant 31 : i32
    %and3A_118 = vector.broadcast %and3A_117 : i32 to vector<16xi32>
    %and3A_119 = arith.andi %add3A_116, %and3A_118 : vector<16xi32>
    %gather3A_120 = tpu.vector_load_idx %arg13[%add3A_18, %and3A_119] : memref<512x32xf32, #tpu.memory_space<vmem>>[vector<16xi32>, vector<16xi32>], vector<16xf32>,
    %gather3A_121 = tpu.vector_load_idx %arg14[%add3A_18, %and3A_119] : memref<512x32xf32, #tpu.memory_space<vmem>>[vector<16xi32>, vector<16xi32>], vector<16xf32>,
    %mul3A_122 = arith.mulf %gather3A_120, %gather3A_121 : vector<16xf32>
    %add3A_123 = arith.addf %add3A_113, %mul3A_122 : vector<16xf32>
    %add3A_124 = arith.constant 9 : i32
    %add3A_125 = vector.broadcast %add3A_124 : i32 to vector<16xi32>
    %add3A_126 = arith.addi %iota3A_33, %add3A_125 : vector<16xi32>
    %and3A_127 = arith.constant 31 : i32
    %and3A_128 = vector.broadcast %and3A_127 : i32 to vector<16xi32>
    %and3A_129 = arith.andi %add3A_126, %and3A_128 : vector<16xi32>
    %gather3A_130 = tpu.vector_load_idx %arg13[%add3A_18, %and3A_129] : memref<512x32xf32, #tpu.memory_space<vmem>>[vector<16xi32>, vector<16xi32>], vector<16xf32>,
    %gather3A_131 = tpu.vector_load_idx %arg14[%add3A_18, %and3A_129] : memref<512x32xf32, #tpu.memory_space<vmem>>[vector<16xi32>, vector<16xi32>], vector<16xf32>,
    %mul3A_132 = arith.mulf %gather3A_130, %gather3A_131 : vector<16xf32>
    %add3A_133 = arith.addf %add3A_123, %mul3A_132 : vector<16xf32>
    %add3A_134 = arith.constant 10 : i32
    %add3A_135 = vector.broadcast %add3A_134 : i32 to vector<16xi32>
    %add3A_136 = arith.addi %iota3A_33, %add3A_135 : vector<16xi32>
    %and3A_137 = arith.constant 31 : i32
    %and3A_138 = vector.broadcast %and3A_137 : i32 to vector<16xi32>
    %and3A_139 = arith.andi %add3A_136, %and3A_138 : vector<16xi32>
    %gather3A_140 = tpu.vector_load_idx %arg13[%add3A_18, %and3A_139] : memref<512x32xf32, #tpu.memory_space<vmem>>[vector<16xi32>, vector<16xi32>], vector<16xf32>,
    %gather3A_141 = tpu.vector_load_idx %arg14[%add3A_18, %and3A_139] : memref<512x32xf32, #tpu.memory_space<vmem>>[vector<16xi32>, vector<16xi32>], vector<16xf32>,
    %mul3A_142 = arith.mulf %gather3A_140, %gather3A_141 : vector<16xf32>
    %add3A_143 = arith.addf %add3A_133, %mul3A_142 : vector<16xf32>
    %add3A_144 = arith.constant 11 : i32
    %add3A_145 = vector.broadcast %add3A_144 : i32 to vector<16xi32>
    %add3A_146 = arith.addi %iota3A_33, %add3A_145 : vector<16xi32>
    %and3A_147 = arith.constant 31 : i32
    %and3A_148 = vector.broadcast %and3A_147 : i32 to vector<16xi32>
    %and3A_149 = arith.andi %add3A_146, %and3A_148 : vector<16xi32>
    %gather3A_150 = tpu.vector_load_idx %arg13[%add3A_18, %and3A_149] : memref<512x32xf32, #tpu.memory_space<vmem>>[vector<16xi32>, vector<16xi32>], vector<16xf32>,
    %gather3A_151 = tpu.vector_load_idx %arg14[%add3A_18, %and3A_149] : memref<512x32xf32, #tpu.memory_space<vmem>>[vector<16xi32>, vector<16xi32>], vector<16xf32>,
    %mul3A_152 = arith.mulf %gather3A_150, %gather3A_151 : vector<16xf32>
    %add3A_153 = arith.addf %add3A_143, %mul3A_152 : vector<16xf32>
    %add3A_154 = arith.constant 12 : i32
    %add3A_155 = vector.broadcast %add3A_154 : i32 to vector<16xi32>
    %add3A_156 = arith.addi %iota3A_33, %add3A_155 : vector<16xi32>
    %and3A_157 = arith.constant 31 : i32
    %and3A_158 = vector.broadcast %and3A_157 : i32 to vector<16xi32>
    %and3A_159 = arith.andi %add3A_156, %and3A_158 : vector<16xi32>
    %gather3A_160 = tpu.vector_load_idx %arg13[%add3A_18, %and3A_159] : memref<512x32xf32, #tpu.memory_space<vmem>>[vector<16xi32>, vector<16xi32>], vector<16xf32>,
    %gather3A_161 = tpu.vector_load_idx %arg14[%add3A_18, %and3A_159] : memref<512x32xf32, #tpu.memory_space<vmem>>[vector<16xi32>, vector<16xi32>], vector<16xf32>,
    %mul3A_162 = arith.mulf %gather3A_160, %gather3A_161 : vector<16xf32>
    %add3A_163 = arith.addf %add3A_153, %mul3A_162 : vector<16xf32>
    %add3A_164 = arith.constant 13 : i32
    %add3A_165 = vector.broadcast %add3A_164 : i32 to vector<16xi32>
    %add3A_166 = arith.addi %iota3A_33, %add3A_165 : vector<16xi32>
    %and3A_167 = arith.constant 31 : i32
    %and3A_168 = vector.broadcast %and3A_167 : i32 to vector<16xi32>
    %and3A_169 = arith.andi %add3A_166, %and3A_168 : vector<16xi32>
    %gather3A_170 = tpu.vector_load_idx %arg13[%add3A_18, %and3A_169] : memref<512x32xf32, #tpu.memory_space<vmem>>[vector<16xi32>, vector<16xi32>], vector<16xf32>,
    %gather3A_171 = tpu.vector_load_idx %arg14[%add3A_18, %and3A_169] : memref<512x32xf32, #tpu.memory_space<vmem>>[vector<16xi32>, vector<16xi32>], vector<16xf32>,
    %mul3A_172 = arith.mulf %gather3A_170, %gather3A_171 : vector<16xf32>
    %add3A_173 = arith.addf %add3A_163, %mul3A_172 : vector<16xf32>
    %add3A_174 = arith.constant 14 : i32
    %add3A_175 = vector.broadcast %add3A_174 : i32 to vector<16xi32>
    %add3A_176 = arith.addi %iota3A_33, %add3A_175 : vector<16xi32>
    %and3A_177 = arith.constant 31 : i32
    %and3A_178 = vector.broadcast %and3A_177 : i32 to vector<16xi32>
    %and3A_179 = arith.andi %add3A_176, %and3A_178 : vector<16xi32>
    %gather3A_180 = tpu.vector_load_idx %arg13[%add3A_18, %and3A_179] : memref<512x32xf32, #tpu.memory_space<vmem>>[vector<16xi32>, vector<16xi32>], vector<16xf32>,
    %gather3A_181 = tpu.vector_load_idx %arg14[%add3A_18, %and3A_179] : memref<512x32xf32, #tpu.memory_space<vmem>>[vector<16xi32>, vector<16xi32>], vector<16xf32>,
    %mul3A_182 = arith.mulf %gather3A_180, %gather3A_181 : vector<16xf32>
    %add3A_183 = arith.addf %add3A_173, %mul3A_182 : vector<16xf32>
    %add3A_184 = arith.constant 15 : i32
    %add3A_185 = vector.broadcast %add3A_184 : i32 to vector<16xi32>
    %add3A_186 = arith.addi %iota3A_33, %add3A_185 : vector<16xi32>
    %and3A_187 = arith.constant 31 : i32
    %and3A_188 = vector.broadcast %and3A_187 : i32 to vector<16xi32>
    %and3A_189 = arith.andi %add3A_186, %and3A_188 : vector<16xi32>
    %gather3A_190 = tpu.vector_load_idx %arg13[%add3A_18, %and3A_189] : memref<512x32xf32, #tpu.memory_space<vmem>>[vector<16xi32>, vector<16xi32>], vector<16xf32>,
    %gather3A_191 = tpu.vector_load_idx %arg14[%add3A_18, %and3A_189] : memref<512x32xf32, #tpu.memory_space<vmem>>[vector<16xi32>, vector<16xi32>], vector<16xf32>,
    %mul3A_192 = arith.mulf %gather3A_190, %gather3A_191 : vector<16xf32>
    %add3A_193 = arith.addf %add3A_183, %mul3A_192 : vector<16xf32>
    %add3A_194 = arith.constant 16 : i32
    %add3A_195 = vector.broadcast %add3A_194 : i32 to vector<16xi32>
    %add3A_196 = arith.addi %iota3A_33, %add3A_195 : vector<16xi32>
    %and3A_197 = arith.constant 31 : i32
    %and3A_198 = vector.broadcast %and3A_197 : i32 to vector<16xi32>
    %and3A_199 = arith.andi %add3A_196, %and3A_198 : vector<16xi32>
    %gather3A_200 = tpu.vector_load_idx %arg13[%add3A_18, %and3A_199] : memref<512x32xf32, #tpu.memory_space<vmem>>[vector<16xi32>, vector<16xi32>], vector<16xf32>,
    %gather3A_201 = tpu.vector_load_idx %arg14[%add3A_18, %and3A_199] : memref<512x32xf32, #tpu.memory_space<vmem>>[vector<16xi32>, vector<16xi32>], vector<16xf32>,
    %mul3A_202 = arith.mulf %gather3A_200, %gather3A_201 : vector<16xf32>
    %add3A_203 = arith.addf %add3A_193, %mul3A_202 : vector<16xf32>
    %add3A_204 = arith.constant 17 : i32
    %add3A_205 = vector.broadcast %add3A_204 : i32 to vector<16xi32>
    %add3A_206 = arith.addi %iota3A_33, %add3A_205 : vector<16xi32>
    %and3A_207 = arith.constant 31 : i32
    %and3A_208 = vector.broadcast %and3A_207 : i32 to vector<16xi32>
    %and3A_209 = arith.andi %add3A_206, %and3A_208 : vector<16xi32>
    %gather3A_210 = tpu.vector_load_idx %arg13[%add3A_18, %and3A_209] : memref<512x32xf32, #tpu.memory_space<vmem>>[vector<16xi32>, vector<16xi32>], vector<16xf32>,
    %gather3A_211 = tpu.vector_load_idx %arg14[%add3A_18, %and3A_209] : memref<512x32xf32, #tpu.memory_space<vmem>>[vector<16xi32>, vector<16xi32>], vector<16xf32>,
    %mul3A_212 = arith.mulf %gather3A_210, %gather3A_211 : vector<16xf32>
    %add3A_213 = arith.addf %add3A_203, %mul3A_212 : vector<16xf32>
    %add3A_214 = arith.constant 18 : i32
    %add3A_215 = vector.broadcast %add3A_214 : i32 to vector<16xi32>
    %add3A_216 = arith.addi %iota3A_33, %add3A_215 : vector<16xi32>
    %and3A_217 = arith.constant 31 : i32
    %and3A_218 = vector.broadcast %and3A_217 : i32 to vector<16xi32>
    %and3A_219 = arith.andi %add3A_216, %and3A_218 : vector<16xi32>
    %gather3A_220 = tpu.vector_load_idx %arg13[%add3A_18, %and3A_219] : memref<512x32xf32, #tpu.memory_space<vmem>>[vector<16xi32>, vector<16xi32>], vector<16xf32>,
    %gather3A_221 = tpu.vector_load_idx %arg14[%add3A_18, %and3A_219] : memref<512x32xf32, #tpu.memory_space<vmem>>[vector<16xi32>, vector<16xi32>], vector<16xf32>,
    %mul3A_222 = arith.mulf %gather3A_220, %gather3A_221 : vector<16xf32>
    %add3A_223 = arith.addf %add3A_213, %mul3A_222 : vector<16xf32>
    %add3A_224 = arith.constant 19 : i32
    %add3A_225 = vector.broadcast %add3A_224 : i32 to vector<16xi32>
    %add3A_226 = arith.addi %iota3A_33, %add3A_225 : vector<16xi32>
    %and3A_227 = arith.constant 31 : i32
    %and3A_228 = vector.broadcast %and3A_227 : i32 to vector<16xi32>
    %and3A_229 = arith.andi %add3A_226, %and3A_228 : vector<16xi32>
    %gather3A_230 = tpu.vector_load_idx %arg13[%add3A_18, %and3A_229] : memref<512x32xf32, #tpu.memory_space<vmem>>[vector<16xi32>, vector<16xi32>], vector<16xf32>,
    %gather3A_231 = tpu.vector_load_idx %arg14[%add3A_18, %and3A_229] : memref<512x32xf32, #tpu.memory_space<vmem>>[vector<16xi32>, vector<16xi32>], vector<16xf32>,
    %mul3A_232 = arith.mulf %gather3A_230, %gather3A_231 : vector<16xf32>
    %add3A_233 = arith.addf %add3A_223, %mul3A_232 : vector<16xf32>
    %add3A_234 = arith.constant 20 : i32
    %add3A_235 = vector.broadcast %add3A_234 : i32 to vector<16xi32>
    %add3A_236 = arith.addi %iota3A_33, %add3A_235 : vector<16xi32>
    %and3A_237 = arith.constant 31 : i32
    %and3A_238 = vector.broadcast %and3A_237 : i32 to vector<16xi32>
    %and3A_239 = arith.andi %add3A_236, %and3A_238 : vector<16xi32>
    %gather3A_240 = tpu.vector_load_idx %arg13[%add3A_18, %and3A_239] : memref<512x32xf32, #tpu.memory_space<vmem>>[vector<16xi32>, vector<16xi32>], vector<16xf32>,
    %gather3A_241 = tpu.vector_load_idx %arg14[%add3A_18, %and3A_239] : memref<512x32xf32, #tpu.memory_space<vmem>>[vector<16xi32>, vector<16xi32>], vector<16xf32>,
    %mul3A_242 = arith.mulf %gather3A_240, %gather3A_241 : vector<16xf32>
    %add3A_243 = arith.addf %add3A_233, %mul3A_242 : vector<16xf32>
    %add3A_244 = arith.constant 21 : i32
    %add3A_245 = vector.broadcast %add3A_244 : i32 to vector<16xi32>
    %add3A_246 = arith.addi %iota3A_33, %add3A_245 : vector<16xi32>
    %and3A_247 = arith.constant 31 : i32
    %and3A_248 = vector.broadcast %and3A_247 : i32 to vector<16xi32>
    %and3A_249 = arith.andi %add3A_246, %and3A_248 : vector<16xi32>
    %gather3A_250 = tpu.vector_load_idx %arg13[%add3A_18, %and3A_249] : memref<512x32xf32, #tpu.memory_space<vmem>>[vector<16xi32>, vector<16xi32>], vector<16xf32>,
    %gather3A_251 = tpu.vector_load_idx %arg14[%add3A_18, %and3A_249] : memref<512x32xf32, #tpu.memory_space<vmem>>[vector<16xi32>, vector<16xi32>], vector<16xf32>,
    %mul3A_252 = arith.mulf %gather3A_250, %gather3A_251 : vector<16xf32>
    %add3A_253 = arith.addf %add3A_243, %mul3A_252 : vector<16xf32>
    %add3A_254 = arith.constant 22 : i32
    %add3A_255 = vector.broadcast %add3A_254 : i32 to vector<16xi32>
    %add3A_256 = arith.addi %iota3A_33, %add3A_255 : vector<16xi32>
    %and3A_257 = arith.constant 31 : i32
    %and3A_258 = vector.broadcast %and3A_257 : i32 to vector<16xi32>
    %and3A_259 = arith.andi %add3A_256, %and3A_258 : vector<16xi32>
    %gather3A_260 = tpu.vector_load_idx %arg13[%add3A_18, %and3A_259] : memref<512x32xf32, #tpu.memory_space<vmem>>[vector<16xi32>, vector<16xi32>], vector<16xf32>,
    %gather3A_261 = tpu.vector_load_idx %arg14[%add3A_18, %and3A_259] : memref<512x32xf32, #tpu.memory_space<vmem>>[vector<16xi32>, vector<16xi32>], vector<16xf32>,
    %mul3A_262 = arith.mulf %gather3A_260, %gather3A_261 : vector<16xf32>
    %add3A_263 = arith.addf %add3A_253, %mul3A_262 : vector<16xf32>
    %add3A_264 = arith.constant 23 : i32
    %add3A_265 = vector.broadcast %add3A_264 : i32 to vector<16xi32>
    %add3A_266 = arith.addi %iota3A_33, %add3A_265 : vector<16xi32>
    %and3A_267 = arith.constant 31 : i32
    %and3A_268 = vector.broadcast %and3A_267 : i32 to vector<16xi32>
    %and3A_269 = arith.andi %add3A_266, %and3A_268 : vector<16xi32>
    %gather3A_270 = tpu.vector_load_idx %arg13[%add3A_18, %and3A_269] : memref<512x32xf32, #tpu.memory_space<vmem>>[vector<16xi32>, vector<16xi32>], vector<16xf32>,
    %gather3A_271 = tpu.vector_load_idx %arg14[%add3A_18, %and3A_269] : memref<512x32xf32, #tpu.memory_space<vmem>>[vector<16xi32>, vector<16xi32>], vector<16xf32>,
    %mul3A_272 = arith.mulf %gather3A_270, %gather3A_271 : vector<16xf32>
    %add3A_273 = arith.addf %add3A_263, %mul3A_272 : vector<16xf32>
    %add3A_274 = arith.constant 24 : i32
    %add3A_275 = vector.broadcast %add3A_274 : i32 to vector<16xi32>
    %add3A_276 = arith.addi %iota3A_33, %add3A_275 : vector<16xi32>
    %and3A_277 = arith.constant 31 : i32
    %and3A_278 = vector.broadcast %and3A_277 : i32 to vector<16xi32>
    %and3A_279 = arith.andi %add3A_276, %and3A_278 : vector<16xi32>
    %gather3A_280 = tpu.vector_load_idx %arg13[%add3A_18, %and3A_279] : memref<512x32xf32, #tpu.memory_space<vmem>>[vector<16xi32>, vector<16xi32>], vector<16xf32>,
    %gather3A_281 = tpu.vector_load_idx %arg14[%add3A_18, %and3A_279] : memref<512x32xf32, #tpu.memory_space<vmem>>[vector<16xi32>, vector<16xi32>], vector<16xf32>,
    %mul3A_282 = arith.mulf %gather3A_280, %gather3A_281 : vector<16xf32>
    %add3A_283 = arith.addf %add3A_273, %mul3A_282 : vector<16xf32>
    %add3A_284 = arith.constant 25 : i32
    %add3A_285 = vector.broadcast %add3A_284 : i32 to vector<16xi32>
    %add3A_286 = arith.addi %iota3A_33, %add3A_285 : vector<16xi32>
    %and3A_287 = arith.constant 31 : i32
    %and3A_288 = vector.broadcast %and3A_287 : i32 to vector<16xi32>
    %and3A_289 = arith.andi %add3A_286, %and3A_288 : vector<16xi32>
    %gather3A_290 = tpu.vector_load_idx %arg13[%add3A_18, %and3A_289] : memref<512x32xf32, #tpu.memory_space<vmem>>[vector<16xi32>, vector<16xi32>], vector<16xf32>,
    %gather3A_291 = tpu.vector_load_idx %arg14[%add3A_18, %and3A_289] : memref<512x32xf32, #tpu.memory_space<vmem>>[vector<16xi32>, vector<16xi32>], vector<16xf32>,
    %mul3A_292 = arith.mulf %gather3A_290, %gather3A_291 : vector<16xf32>
    %add3A_293 = arith.addf %add3A_283, %mul3A_292 : vector<16xf32>
    %add3A_294 = arith.constant 26 : i32
    %add3A_295 = vector.broadcast %add3A_294 : i32 to vector<16xi32>
    %add3A_296 = arith.addi %iota3A_33, %add3A_295 : vector<16xi32>
    %and3A_297 = arith.constant 31 : i32
    %and3A_298 = vector.broadcast %and3A_297 : i32 to vector<16xi32>
    %and3A_299 = arith.andi %add3A_296, %and3A_298 : vector<16xi32>
    %gather3A_300 = tpu.vector_load_idx %arg13[%add3A_18, %and3A_299] : memref<512x32xf32, #tpu.memory_space<vmem>>[vector<16xi32>, vector<16xi32>], vector<16xf32>,
    %gather3A_301 = tpu.vector_load_idx %arg14[%add3A_18, %and3A_299] : memref<512x32xf32, #tpu.memory_space<vmem>>[vector<16xi32>, vector<16xi32>], vector<16xf32>,
    %mul3A_302 = arith.mulf %gather3A_300, %gather3A_301 : vector<16xf32>
    %add3A_303 = arith.addf %add3A_293, %mul3A_302 : vector<16xf32>
    %add3A_304 = arith.constant 27 : i32
    %add3A_305 = vector.broadcast %add3A_304 : i32 to vector<16xi32>
    %add3A_306 = arith.addi %iota3A_33, %add3A_305 : vector<16xi32>
    %and3A_307 = arith.constant 31 : i32
    %and3A_308 = vector.broadcast %and3A_307 : i32 to vector<16xi32>
    %and3A_309 = arith.andi %add3A_306, %and3A_308 : vector<16xi32>
    %gather3A_310 = tpu.vector_load_idx %arg13[%add3A_18, %and3A_309] : memref<512x32xf32, #tpu.memory_space<vmem>>[vector<16xi32>, vector<16xi32>], vector<16xf32>,
    %gather3A_311 = tpu.vector_load_idx %arg14[%add3A_18, %and3A_309] : memref<512x32xf32, #tpu.memory_space<vmem>>[vector<16xi32>, vector<16xi32>], vector<16xf32>,
    %mul3A_312 = arith.mulf %gather3A_310, %gather3A_311 : vector<16xf32>
    %add3A_313 = arith.addf %add3A_303, %mul3A_312 : vector<16xf32>
    %add3A_314 = arith.constant 28 : i32
    %add3A_315 = vector.broadcast %add3A_314 : i32 to vector<16xi32>
    %add3A_316 = arith.addi %iota3A_33, %add3A_315 : vector<16xi32>
    %and3A_317 = arith.constant 31 : i32
    %and3A_318 = vector.broadcast %and3A_317 : i32 to vector<16xi32>
    %and3A_319 = arith.andi %add3A_316, %and3A_318 : vector<16xi32>
    %gather3A_320 = tpu.vector_load_idx %arg13[%add3A_18, %and3A_319] : memref<512x32xf32, #tpu.memory_space<vmem>>[vector<16xi32>, vector<16xi32>], vector<16xf32>,
    %gather3A_321 = tpu.vector_load_idx %arg14[%add3A_18, %and3A_319] : memref<512x32xf32, #tpu.memory_space<vmem>>[vector<16xi32>, vector<16xi32>], vector<16xf32>,
    %mul3A_322 = arith.mulf %gather3A_320, %gather3A_321 : vector<16xf32>
    %add3A_323 = arith.addf %add3A_313, %mul3A_322 : vector<16xf32>
    %add3A_324 = arith.constant 29 : i32
    %add3A_325 = vector.broadcast %add3A_324 : i32 to vector<16xi32>
    %add3A_326 = arith.addi %iota3A_33, %add3A_325 : vector<16xi32>
    %and3A_327 = arith.constant 31 : i32
    %and3A_328 = vector.broadcast %and3A_327 : i32 to vector<16xi32>
    %and3A_329 = arith.andi %add3A_326, %and3A_328 : vector<16xi32>
    %gather3A_330 = tpu.vector_load_idx %arg13[%add3A_18, %and3A_329] : memref<512x32xf32, #tpu.memory_space<vmem>>[vector<16xi32>, vector<16xi32>], vector<16xf32>,
    %gather3A_331 = tpu.vector_load_idx %arg14[%add3A_18, %and3A_329] : memref<512x32xf32, #tpu.memory_space<vmem>>[vector<16xi32>, vector<16xi32>], vector<16xf32>,
    %mul3A_332 = arith.mulf %gather3A_330, %gather3A_331 : vector<16xf32>
    %add3A_333 = arith.addf %add3A_323, %mul3A_332 : vector<16xf32>
    %add3A_334 = arith.constant 30 : i32
    %add3A_335 = vector.broadcast %add3A_334 : i32 to vector<16xi32>
    %add3A_336 = arith.addi %iota3A_33, %add3A_335 : vector<16xi32>
    %and3A_337 = arith.constant 31 : i32
    %and3A_338 = vector.broadcast %and3A_337 : i32 to vector<16xi32>
    %and3A_339 = arith.andi %add3A_336, %and3A_338 : vector<16xi32>
    %gather3A_340 = tpu.vector_load_idx %arg13[%add3A_18, %and3A_339] : memref<512x32xf32, #tpu.memory_space<vmem>>[vector<16xi32>, vector<16xi32>], vector<16xf32>,
    %gather3A_341 = tpu.vector_load_idx %arg14[%add3A_18, %and3A_339] : memref<512x32xf32, #tpu.memory_space<vmem>>[vector<16xi32>, vector<16xi32>], vector<16xf32>,
    %mul3A_342 = arith.mulf %gather3A_340, %gather3A_341 : vector<16xf32>
    %add3A_343 = arith.addf %add3A_333, %mul3A_342 : vector<16xf32>
    %add3A_344 = arith.constant 31 : i32
    %add3A_345 = vector.broadcast %add3A_344 : i32 to vector<16xi32>
    %add3A_346 = arith.addi %iota3A_33, %add3A_345 : vector<16xi32>
    %and3A_347 = arith.constant 31 : i32
    %and3A_348 = vector.broadcast %and3A_347 : i32 to vector<16xi32>
    %and3A_349 = arith.andi %add3A_346, %and3A_348 : vector<16xi32>
    %gather3A_350 = tpu.vector_load_idx %arg13[%add3A_18, %and3A_349] : memref<512x32xf32, #tpu.memory_space<vmem>>[vector<16xi32>, vector<16xi32>], vector<16xf32>,
    %gather3A_351 = tpu.vector_load_idx %arg14[%add3A_18, %and3A_349] : memref<512x32xf32, #tpu.memory_space<vmem>>[vector<16xi32>, vector<16xi32>], vector<16xf32>,
    %mul3A_352 = arith.mulf %gather3A_350, %gather3A_351 : vector<16xf32>
    %add3A_353 = arith.addf %add3A_343, %mul3A_352 : vector<16xf32>
    %mul3A_354 = arith.constant 16 : i32
    %mul3A_355 = arith.muli %scan3A_14, %mul3A_354 : i32
    %swap3A = arith.index_cast %mul3A_355 : i32 to index
    %swap3A_356 = tpu.vector_load %arg17[%swap3A] {strides = array<i32>} : memref<512xf32, #tpu.memory_space<vmem>>, vector<16xf32>,
    tpu.vector_store %arg17[%swap3A], %add3A_353 {strides = array<i32>} : memref<512xf32, #tpu.memory_space<vmem>>, vector<16xf32>,
    %scan3A_357 = arith.constant 0 : i32
    %scan3A_358 = arith.constant 1 : i32
    "tpu.region"() ({
      %run_scoped3A = tpu.sem_alloc : memref<!tpu.dma_semaphore, #tpu.memory_space<semaphore_mem>>
      %dma_start3A_359 = tpu.memref_slice %arg7[%mul3A_2] : memref<16384xf32, #tpu.memory_space<hbm>> -> memref<512xf32, #tpu.memory_space<hbm>>
      %dma_start3A_360 = tpu.memref_slice %arg7[%mul3A_2] : memref<16384xf32, #tpu.memory_space<hbm>> -> memref<512xf32, #tpu.memory_space<hbm>>
      tpu.enqueue_dma source(%arg17 : memref<512xf32, #tpu.memory_space<vmem>>) target(%dma_start3A_360 : memref<512xf32, #tpu.memory_space<hbm>>) target_semaphore(%run_scoped3A : memref<!tpu.dma_semaphore, #tpu.memory_space<semaphore_mem>>)
      %dma_wait3A_361 = tpu.memref_slice %arg7[%mul3A_2] : memref<16384xf32, #tpu.memory_space<hbm>> -> memref<512xf32, #tpu.memory_space<hbm>>
      %dma_wait3A_362 = tpu.memref_slice %arg7[%mul3A_2] : memref<16384xf32, #tpu.memory_space<hbm>> -> memref<512xf32, #tpu.memory_space<hbm>>
      tpu.wait_dma2 semaphore(%run_scoped3A : memref<!tpu.dma_semaphore, #tpu.memory_space<semaphore_mem>>) src(%arg17 : memref<512xf32, #tpu.memory_space<vmem>>) dst(%dma_wait3A_362 : memref<512xf32, #tpu.memory_space<hbm>>)
      tpu.yield
    }) : () -> ()
    return
  }
}

</mosaic_0001>

<sc_bundles>
// kernel: _run.3.cloned.1.call-start
scs
__scs_entry_jumppad:
0x0: {  	(pc) =	sbr.rel $0x88, $3  }
0x1: {  	(tag) =	ssettag $0x0;
	lr =	simm.s32 $0x1  }
0x2: {  	[smem:$0x3F9C] =	sst lr;
	_ =	strace $0xD0000000  }
0x3: {  	_ = 	snop  }
0x4: {  	_ = 	snop  }
0x5: {  	_ = 	snop  }
0x6: {  	_ = 	snop  }
0x7: {  	_ = 	snop  }
__scs_overlays_trampoline_lowered:
0x8: {  	[smem:$0x3FAB] =	sst s0  }
0x9: {  	[smem:$0x3FAC] =	sst s1  }
0xa: {  	[smem:$0x3FAD] =	sst s2  }
0xb: {  	[smem:$0x3FAE] =	sst s3  }
0xc: {  	[smem:$0x3FAF] =	sst s4  }
0xd: {  	[smem:$0x3FB0] =	sst s5  }
0xe: {  	[smem:$0x3FB1] =	sst s6  }
0xf: {  	[smem:$0x3FB2] =	sst s7  }
0x10: {  	[smem:$0x3FB3] =	sst s8  }
0x11: {  	[smem:$0x3FB4] =	sst s9;
	s0 =	simm.s32 @!p0 $0x0  }
0x12: {  	s1 =	sld [smem:$0x3F9A];
	s0 =	simm.s32 @p0 $0x1  }
0x13: {  	[smem:$0x3FB5] =	sst s0;
	s0 =	simm.s32 @!p1 $0x0  }
0x14: {  	s2 =	sld [smem:$0x3F99];
	s0 =	simm.s32 @p1 $0x1  }
0x15: {  	[smem:$0x3FB6] =	sst s0;
	s0 =	simm.s32 @!p2 $0x0  }
0x16: {  	s3 =	sld [smem:$0x3FDB];
	s0 =	simm.s32 @p2 $0x1  }
0x17: {  	s4 =	simm.s32 $0x1BF5;
	[smem:$0x3FB8] =	sst s0  }
0x18: {  	s0 =	sld [smem:$0x3F9B];
	_ =	swait.ge [sflag:s4], $0x0  }
0x19: {  	s7 =	sld [smem:$0x3F9C]  }
0x1a: {  	s8 =	sadd.s32 $0xFFFFE003, lr  }
0x1b: {  	s9 =	sadd.s32 $0xFFFFFEF7, lr;
	s5 =	simm.s32 $0xFFFFFFFF;
	p2 =	slt.u32 s8, $0xFFFFF086  }
0x1c: {  	p1 =	slt.u32 s9, $0xF7A;
	s5 =	simm.s32 @!p2 $0x0  }
0x1d: {  	s5 =	simm.s32 @p1 $0x1;
	p0 =	seq.s32 s7, s2  }
0x1e: {  	s7 =	smul.u32 @!p0 $0xF7A, s2;
	p2 =	seq.s32 @!p0 s5, $0x0  }
0x1f: {  	s9 =	smul.u32 $0xF7A, s1;
	s8 =	simm.s32 @!p0 $0x1BF5;
	p2 =	por !p2, p0  }
0x20: {  	[sflag:s8] =	ssyncset.s32 @!p0 $0xFFFFF086;
	s6 =	sadd.s32 @!p0 s3, s7;
	s7 =	simm.s32 @!p0 $0x108  }
0x21: {  	s3 =	sadd.s32 s3, s9;
	s6 =	sadd.s32 @!p0 $0x88, s6;
	s7 =	simm.s32 @p2 $0x1082  }
0x22: {  	[simem:s7], [sflag:s8] =	dma.local @!p0 [hbm:s6], $0xF7A  }
0x23: {  	s9 =	sor.u32 $0xD0000000, s2;
	s6 =	simm.s32 $0x108;
	_ =	swait.ge @!p0 [sflag:s8], $0x0  }
0x24: {  	s3 =	sadd.s32 $0x88, s3;
	s6 =	simm.s32 @!p1 $0x1082;
	[sflag:s4] =	ssyncset.s32 $0xFFFFF086  }
0x25: {  	[simem:s6], [sflag:s4] =	dma.local [hbm:s3], $0xF7A  }
0x26: {  	[smem:$0x3F9C] =	sst s1;
	(tag) =	ssettag s2;
	_ =	strace s9  }
0x27: {  	s1 =	sld [smem:$0x3FAC]  }
0x28: {  	s2 =	sld [smem:$0x3FAD]  }
0x29: {  	s4 =	sld [smem:$0x3FAF]  }
0x2a: {  	p0 =	seq.s32 s5, $0x0;
	s5 =	sld [smem:$0x3FB0]  }
0x2b: {  	s6 =	sld [smem:$0x3FB1]  }
0x2c: {  	s7 =	sld [smem:$0x3FB2]  }
0x2d: {  	s3 =	simm.s32 $0x108;
	s8 =	sld [smem:$0x3FB3]  }
0x2e: {  	s3 =	simm.s32 @!p0 $0x1082;
	s9 =	sld [smem:$0x3FB4]  }
0x2f: {  	lr =	sadd.s32 s0, s3;
	s0 =	sld [smem:$0x3FAB]  }
0x30: {  	s3 =	sld [smem:$0x3FAE]  }
0x31: {  	[smem:$0x3FB7] =	sst s10  }
0x32: {  	s10 =	sld [smem:$0x3FB5];
	_ =	sdelay $0x3  }
0x33: {  	p0 =	seq.s32 s10, $0x1;
	s10 =	sld [smem:$0x3FB7];
	_ =	sdelay $0x3  }
0x34: {  	[smem:$0x3FB7] =	sst s10  }
0x35: {  	s10 =	sld [smem:$0x3FB6];
	_ =	sdelay $0x3  }
0x36: {  	p1 =	seq.s32 s10, $0x1;
	s10 =	sld [smem:$0x3FB7];
	_ =	sdelay $0x3  }
0x37: {  	[smem:$0x3FB7] =	sst s10  }
0x38: {  	s10 =	sld [smem:$0x3FB8]  }
0x39: {  	_ = 	snop;
	(pc) =	sbr.ind lr, $3  }
0x3a: {  	_ = 	snop  }
0x3b: {  	_ = 	snop  }
0x3c: {  	p2 =	seq.s32 s10, $0x1;
	s10 =	sld [smem:$0x3FB7]  }
0x3d: {  	_ =	shalt  }
0x3e: {  	_ =	shalt  }
0x3f: {  	_ =	shalt  }
0x40: {  	_ =	shalt  }
0x41: {  	_ =	shalt  }
0x42: {  	_ =	shalt  }
0x43: {  	_ =	shalt  }
0x44: {  	_ =	shalt  }
0x45: {  	_ =	shalt  }
0x46: {  	_ =	shalt  }
0x47: {  	_ =	shalt  }
0x48: {  	_ =	shalt  }
0x49: {  	_ =	shalt  }
0x4a: {  	_ =	shalt  }
0x4b: {  	_ =	shalt  }
0x4c: {  	_ =	shalt  }
0x4d: {  	_ =	shalt  }
0x4e: {  	_ =	shalt  }
0x4f: {  	_ =	shalt  }
0x50: {  	_ =	shalt  }
0x51: {  	_ =	shalt  }
0x52: {  	_ =	shalt  }
0x53: {  	_ =	shalt  }
0x54: {  	_ =	shalt  }
0x55: {  	_ =	shalt  }
0x56: {  	_ =	shalt  }
0x57: {  	_ =	shalt  }
0x58: {  	_ =	shalt  }
0x59: {  	_ =	shalt  }
0x5a: {  	_ =	shalt  }
0x5b: {  	_ =	shalt  }
0x5c: {  	_ =	shalt  }
0x5d: {  	_ =	shalt  }
0x5e: {  	_ =	shalt  }
0x5f: {  	_ =	shalt  }
0x60: {  	_ =	shalt  }
0x61: {  	_ =	shalt  }
0x62: {  	_ =	shalt  }
0x63: {  	_ =	shalt  }
0x64: {  	_ =	shalt  }
0x65: {  	_ =	shalt  }
0x66: {  	_ =	shalt  }
0x67: {  	_ =	shalt  }
0x68: {  	_ =	shalt  }
0x69: {  	_ =	shalt  }
0x6a: {  	_ =	shalt  }
0x6b: {  	_ =	shalt  }
0x6c: {  	_ =	shalt  }
0x6d: {  	_ =	shalt  }
0x6e: {  	_ =	shalt  }
0x6f: {  	_ =	shalt  }
0x70: {  	_ =	shalt  }
0x71: {  	_ =	shalt  }
0x72: {  	_ =	shalt  }
0x73: {  	_ =	shalt  }
0x74: {  	_ =	shalt  }
0x75: {  	_ =	shalt  }
0x76: {  	_ =	shalt  }
0x77: {  	_ =	shalt  }
0x78: {  	_ =	shalt  }
0x79: {  	_ =	shalt  }
0x7a: {  	_ =	shalt  }
0x7b: {  	_ =	shalt  }
0x7c: {  	_ =	shalt  }
0x7d: {  	_ =	shalt  }
0x7e: {  	_ =	shalt  }
0x7f: {  	_ =	shalt  }
0x80: {  	_ =	shalt  }
0x81: {  	_ =	shalt  }
0x82: {  	_ =	shalt  }
0x83: {  	_ =	shalt  }
0x84: {  	_ =	shalt  }
0x85: {  	_ =	shalt  }
0x86: {  	_ =	shalt  }
0x87: {  	_ =	shalt  }
.Lfunc_end0:
.L_simem_size_0:
called_computation_lowered:
.L_overlay_start_0:
0x88: {  	s2 =	sld [smem:$0x3FD9]  }
0x89: {  	s3 =	sld [smem:$0x3FFE];
	_ =	sdelay $0x1  }
0x8a: {  	s1 =	srdreg.scid  }
0x8b: {  	s0 =	sand.u32 $0x1, s1  }
0x8c: {  	s17 =	sshll.u32 s0, $0xA;
	s2 =	sadd.s32 s3, s2  }
0x8d: {  	s2 =	sadd.s32 s2, s17  }
0x8e: {  	[smem:$0x3FC3] =	sst s2  }
0x8f: {  	_ = 	snop  }
0x90: {  	s2 =	sld [smem:$0x3FD0];
	(tm) =	ssettm $0x1  }
0x91: {  	s18 =	sld [smem:$0x3FFB];
	_ =	sdelay $0x3  }
0x92: {  	_ =	strace s18  }
0x93: {  	s3 =	sld [smem:$0x3FFC];
	_ =	sdelay $0x3  }
0x94: {  	_ =	strace s3  }
0x95: {  	s3 =	sld [smem:$0x3FFD];
	_ =	sdelay $0x3  }
0x96: {  	_ =	strace s3  }
0x97: {  	_ =	strace $0x8FFFFFFF  }
0x98: {  	s19 =	sld [smem:$0x3FDB];
	_ =	sdelay $0x1  }
0x99: {  	s4 =	simm.s32 $_scs_section_size  }
0x9a: {  	s5 =	simm.s32 $_size__tile_overlayer_lowered;
	s6 =	simm.s32 $_tile_overlayer_lowered  }
0x9b: {  	s22 =	simm.s32 $0x1BFF;
	s21 =	sshll.u32 s6, $0x1;
	s3 =	sadd.s32 s4, s19  }
0x9c: {  	s7 =	simm.s32 $0x0;
	s20 =	sshll.u32 s5, $0x1;
	s5 =	sadd.s32 s21, s3  }
0x9d: {  	[timem:s7], [sflag:s22] =	dma.local [hbm:s5], s20  }
0x9e: {  	_ =	swait.ge [sflag:s22], s20  }
0x9f: {  	s4 =	ssub.s32 $0x0, s20;
	[sflag:s22] =	ssyncset.done $0x0  }
0xa0: {  	[sflag:s22] =	ssyncadd.s32 s4;
	_ =	sdelay $0x1  }
0xa1: {  	s23 =	simm.s32 $0x1B8B  }
0xa2: {  	_ =	swait.ge [sflag:s23], $0x1  }
0xa3: {  	[sflag:s23] =	ssyncset.done $0x0  }
0xa4: {  	s25 =	simm.s32 $0x1B8E;
	s24 =	sld [smem:$0x3FFE];
	[sflag:s23] =	ssyncadd.s32 $0xFFFFFFFF  }
0xa5: {  	s26 =	simm.s32 $execute0_lowered;
	[smem:$0x3FD2] =	sst s25  }
0xa6: {  	s5 =	sshll.u32 s26, $0x1;
	_ =	strace $0x80000046;
	[dreg:$0x1] =	wrdreg $0xFFFFFFFF  }
0xa7: {  	s28 =	simm.s32 $_size_execute0_lowered;
	s3 =	sadd.s32 s3, s5;
	[dreg:$0x0] =	wrdreg $0x0  }
0xa8: {  	s5 =	sshll.u32 s28, $0x1;
	[dreg:$0x2] =	wrdreg s3  }
0xa9: {  	[dreg:$0x3] =	wrdreg s5  }
0xaa: {  	[dreg:$0x4] =	wrdreg $0xC0  }
0xab: {  	_ =	task [dreg:s7], $0x5FFFF  }
0xac: {  	[dreg:$0x1] =	wrdreg $0xFFFFFFFF  }
0xad: {  	[dreg:$0x0] =	wrdreg $0x60  }
0xae: {  	[dreg:$0x2] =	wrdreg s24  }
0xaf: {  	[dreg:$0x3] =	wrdreg s2  }
0xb0: {  	[dreg:$0x4] =	wrdreg $0x9  }
0xb1: {  	_ =	task.clear_ibuf [dreg:s7], $0x5FFFF;
	_ =	strace $0x90000046  }
0xb2: {  	s29 =	simm.s32 $0x9;
	_ =	strace $0x80000048  }
0xb3: {  	_ =	swait.ge [sflag:s29], $0x1  }
0xb4: {  	[sflag:s29] =	ssyncadd.s32 $0xFFFFFFFF  }
0xb5: {  	_ =	strace $0x90000048  }
0xb6: {  	_ =	sfence  }
0xb7: {  	s30 =	sld [smem:$0x0];
	_ =	sdelay $0x2  }
0xb8: {  	s31 =	sshll.u32 s1, $0xD;
	s1 =	sshrl.u32 s1, $0x2  }
0xb9: {  	s3 =	sand.u32 $0x4000, s31;
	s1 =	sadd.s32 s1, s30  }
0xba: {  	s0 =	sor.u32 s3, s0;
	s1 =	sshll.u32 s1, $0x11  }
0xbb: {  	s0 =	sor.u32 s1, s0  }
0xbc: {  	s0 =	sadd.s32 $0x8F2B, s0  }
0xbd: {  	[sflag:s0] =	ssyncadd.remote.s32 $0x1  }
0xbe: {  	_ =	sfence.sel $0xFFFF  }
0xbf: {  	[dreg:$0x0] =	wrdreg $0xFFFFFFFF;
	(pc) =	sbr.abs _section_cstart, $3  }
0xc0: {  	[dreg:$0x1] =	wrdreg $0xFFFFFFFF  }
0xc1: {  	_ =	task.clear_ibuf [dreg:s7], $0x2FFFF;
	_ =	strace $0x9FFFFFFF  }
0xc2: {  	(tm) =	ssettm $0x7FFFFFFF  }
0xc3: {  	_ =	shalt  }
tec
execute0_lowered:
.L_overlay_start_1:
0x0: {  	(tag) =	ssettag $0x1  }
0x1: {  	v2 =	vlaneseq.u32;
	v13 =	vimm.s32 $0x74533211  }
0x2: {  	v15 =	vimm.s32 $0xF8D7B695;
	vm8 =	vcmask $0xF00;
	vm7 =	vcmask $0x1F10  }
0x3: {  	vm6 =	vcmask $0x2320;
	vm4 =	vcmask $0x2724;
	vm3 =	vcmask $0x2B28  }
0x4: {  	v19 =	vimm.s32 $0x75543312;
	vm1 =	vcmask $0x2F2C;
	v21 =	vimm.s32 $0xF9D8B796  }
0x5: {  	vm0 =	vcmask $0x3330;
	v22 =	vimm.s32 $0x76553413;
	v23 =	vimm.s32 $0xFAD9B897  }
0x6: {  	vm2 =	vcmask $0x3734;
	vm5 =	vcmask $0x3B38;
	v24 =	vimm.s32 $0x78573615  }
0x7: {  	v25 =	vimm.s32 $0x79583716;
	v26 =	vimm.s32 $0xFDDCBB9A;
	v27 =	vimm.s32 $0x7B5A3918  }
0x8: {  	v28 =	vimm.s32 $0xE0DFBE9D;
	v29 =	vimm.s32 $0xE1C0BF9E;
	v30 =	vimm.s32 $0x7E5D3C1B  }
0x9: {  	v31 =	vimm.s32 $0xE2C1A09F;
	v32 =	vimm.s32 $0xE3C2A180;
	v58 =	vimm.s32 $0x605F3E1D  }
0xa: {  	v33 =	vimm.s32 $0xE4C3A281;
	v60 =	vimm.s32 $0x61403F1E;
	v62 =	vimm.s32 $0xE5C4A382  }
0xb: {  	v63 =	vimm.s32 $0x6241201F;
	v34 =	vimm.s32 $0xE6C5A483;
	v0 =	vmul.u32 $0x21, v2  }
0xc: {  	v1 =	vmul.u32 $0x8, v2;
	v2 =	vmul.u32 $0x10, v2;
	v16 =	vunpack.c.0.s8.s32 v13  }
0xd: {  	v17 =	vunpack.c.0.s8.s32 v15;
	v19 =	vunpack.c.0.s8.s32 v19;
	v21 =	vunpack.c.0.s8.s32 v21  }
0xe: {  	v22 =	vunpack.c.0.s8.s32 v22;
	v25 =	vunpack.c.0.s8.s32 v25;
	v28 =	vunpack.c.0.s8.s32 v28  }
0xf: {  	v29 =	vunpack.c.0.s8.s32 v29;
	v30 =	vunpack.c.0.s8.s32 v30;
	v31 =	vunpack.c.0.s8.s32 v31  }
0x10: {  	v33 =	vunpack.c.0.s8.s32 v33;
	v61 =	vunpack.c.0.s8.s32 v60;
	v34 =	vunpack.c.0.s8.s32 v34  }
0x11: {  	v3 =	vadd.s32 $0x1, v0;
	v4 =	vadd.s32 $0x2, v0;
	v5 =	vadd.s32 $0x3, v0  }
0x12: {  	v6 =	vadd.s32 $0x4, v0;
	v7 =	vadd.s32 $0x5, v0;
	v8 =	vadd.s32 $0x6, v0  }
0x13: {  	v9 =	vadd.s32 $0x7, v0;
	v10 =	vadd.s32 $0x8, v0;
	v11 =	vadd.s32 $0x9, v0  }
0x14: {  	v12 =	vadd.s32 $0xA, v0;
	v13 =	vadd.s32 $0xB, v0;
	v14 =	vadd.s32 $0xC, v0  }
0x15: {  	v15 =	vadd.s32 $0xD, v0;
	v16 =	vand.u32 $0xFF, v16;
	v17 =	vand.u32 $0xFF, v17  }
0x16: {  	v19 =	vand.u32 $0xFF, v19;
	v21 =	vand.u32 $0xFF, v21;
	v22 =	vand.u32 $0xFF, v22  }
0x17: {  	v25 =	vand.u32 $0xFF, v25;
	v28 =	vand.u32 $0xFF, v28;
	v29 =	vand.u32 $0xFF, v29  }
0x18: {  	v30 =	vand.u32 $0xFF, v30;
	v31 =	vand.u32 $0xFF, v31;
	v59 =	vand.u32 $0xFF, v33  }
0x19: {  	v33 =	vunpack.c.0.s8.s32 v62;
	v34 =	vand.u32 $0xFF, v34;
	v18 =	vnsel vm8, $0x1E0, v16  }
0x1a: {  	v16 =	vadd.s32 $0xE, v0;
	v19 =	vnsel vm8, $0x1E1, v19;
	v22 =	vnsel vm8, $0x1E2, v22  }
0x1b: {  	v25 =	vnsel vm8, $0x1E5, v25;
	v18 =	vsel vm7, v17, v18;
	v17 =	vadd.s32 $0xF, v0  }
0x1c: {  	v19 =	vsel vm7, v21, v19;
	v21 =	vunpack.c.0.s8.s32 v23;
	v18 =	vsel vm6, $0x119, v18  }
0x1d: {  	v33 =	vand.u32 $0xFF, v33;
	v19 =	vsel vm6, $0x11A, v19;
	v18 =	vsel vm4, $0x13A, v18  }
0x1e: {  	v19 =	vsel vm4, $0x13B, v19;
	v21 =	vand.u32 $0xFF, v21;
	v20 =	vsel vm3, $0x15B, v18  }
0x1f: {  	v23 =	vsel vm3, $0x15C, v19;
	v21 =	vsel vm7, v21, v22;
	v20 =	vsel vm1, $0x17C, v20  }
0x20: {  	v22 =	vimm.s32 $0x77563514;
	v21 =	vsel vm6, $0x11B, v21;
	v20 =	vsel vm0, $0x19D, v20  }
0x21: {  	v22 =	vunpack.c.0.s8.s32 v22;
	v21 =	vsel vm4, $0x13C, v21;
	v20 =	vsel vm2, $0x1BE, v20  }
0x22: {  	v19 =	vsel vm5, $0x1DF, v20;
	v20 =	vsel vm1, $0x17D, v23;
	v23 =	vimm.s32 $0xFBDAB998  }
0x23: {  	v21 =	vsel vm3, $0x15D, v21;
	v22 =	vand.u32 $0xFF, v22;
	v23 =	vunpack.c.0.s8.s32 v23  }
0x24: {  	v18 =	vadd.s32 $0x10, v0;
	v21 =	vsel vm1, $0x17E, v21;
	v22 =	vnsel vm8, $0x1E3, v22  }
0x25: {  	v20 =	vsel vm0, $0x19E, v20;
	v21 =	vsel vm0, $0x19F, v21;
	v23 =	vand.u32 $0xFF, v23  }
0x26: {  	v22 =	vsel vm7, v23, v22;
	v23 =	vunpack.c.0.s8.s32 v24;
	v24 =	vimm.s32 $0xFCDBBA99  }
0x27: {  	v20 =	vsel vm2, $0x1BF, v20;
	v21 =	vsel vm2, $0x1A0, v21;
	v24 =	vunpack.c.0.s8.s32 v24  }
0x28: {  	v20 =	vsel vm5, $0x1C0, v20;
	v22 =	vsel vm6, $0x11C, v22;
	v23 =	vand.u32 $0xFF, v23  }
0x29: {  	v22 =	vsel vm4, $0x13D, v22;
	v23 =	vnsel vm8, $0x1E4, v23;
	v24 =	vand.u32 $0xFF, v24  }
0x2a: {  	v22 =	vsel vm3, $0x15E, v22;
	v23 =	vsel vm7, v24, v23;
	v24 =	vunpack.c.0.s8.s32 v26  }
0x2b: {  	v21 =	vsel vm5, $0x1C1, v21;
	v22 =	vsel vm1, $0x17F, v22;
	v26 =	vimm.s32 $0xFEDDBC9B  }
0x2c: {  	v22 =	vsel vm0, $0x180, v22;
	v23 =	vsel vm6, $0x11D, v23;
	v24 =	vand.u32 $0xFF, v24  }
0x2d: {  	v26 =	vunpack.c.0.s8.s32 v26;
	v24 =	vsel vm7, v24, v25;
	v25 =	vimm.s32 $0x7A593817  }
0x2e: {  	v23 =	vsel vm4, $0x13E, v23;
	v22 =	vsel vm2, $0x1A1, v22;
	v25 =	vunpack.c.0.s8.s32 v25  }
0x2f: {  	v23 =	vsel vm3, $0x15F, v23;
	v22 =	vsel vm5, $0x1C2, v22;
	v24 =	vsel vm6, $0x11E, v24  }
0x30: {  	v26 =	vand.u32 $0xFF, v26;
	v24 =	vsel vm4, $0x13F, v24;
	v25 =	vand.u32 $0xFF, v25  }
0x31: {  	v23 =	vsel vm1, $0x160, v23;
	v24 =	vsel vm3, $0x140, v24;
	v25 =	vnsel vm8, $0x1E6, v25  }
0x32: {  	v25 =	vsel vm7, v26, v25;
	v26 =	vunpack.c.0.s8.s32 v27;
	v27 =	vimm.s32 $0xFFDEBD9C  }
0x33: {  	v23 =	vsel vm0, $0x181, v23;
	v24 =	vsel vm1, $0x161, v24;
	v27 =	vunpack.c.0.s8.s32 v27  }
0x34: {  	v23 =	vsel vm2, $0x1A2, v23;
	v24 =	vsel vm0, $0x182, v24;
	v26 =	vand.u32 $0xFF, v26  }
0x35: {  	v25 =	vsel vm6, $0x11F, v25;
	v26 =	vnsel vm8, $0x1E7, v26;
	v27 =	vand.u32 $0xFF, v27  }
0x36: {  	v25 =	vsel vm4, $0x120, v25;
	v26 =	vsel vm7, v27, v26;
	v27 =	vimm.s32 $0x7C5B3A19  }
0x37: {  	v24 =	vsel vm2, $0x1A3, v24;
	v25 =	vsel vm3, $0x141, v25;
	v27 =	vunpack.c.0.s8.s32 v27  }
0x38: {  	v23 =	vsel vm5, $0x1C3, v23;
	v24 =	vsel vm5, $0x1C4, v24;
	v25 =	vsel vm1, $0x162, v25  }
0x39: {  	v26 =	vsel vm6, $0x100, v26;
	v25 =	vsel vm0, $0x183, v25;
	v27 =	vand.u32 $0xFF, v27  }
0x3a: {  	v26 =	vsel vm4, $0x121, v26;
	v25 =	vsel vm2, $0x1A4, v25;
	v27 =	vnsel vm8, $0x1E8, v27  }
0x3b: {  	v26 =	vsel vm3, $0x142, v26;
	v27 =	vsel vm7, v28, v27;
	v28 =	vimm.s32 $0x7D5C3B1A  }
0x3c: {  	v26 =	vsel vm1, $0x163, v26;
	v27 =	vsel vm6, $0x101, v27;
	v28 =	vunpack.c.0.s8.s32 v28  }
0x3d: {  	v25 =	vsel vm5, $0x1C5, v25;
	v26 =	vsel vm0, $0x184, v26;
	v27 =	vsel vm4, $0x122, v27  }
0x3e: {  	v26 =	vsel vm2, $0x1A5, v26;
	v27 =	vsel vm3, $0x143, v27;
	v28 =	vand.u32 $0xFF, v28  }
0x3f: {  	v26 =	vsel vm5, $0x1C6, v26;
	v27 =	vsel vm1, $0x164, v27;
	v28 =	vnsel vm8, $0x1E9, v28  }
0x40: {  	v28 =	vsel vm7, v29, v28;
	v29 =	vnsel vm8, $0x1EA, v30;
	v30 =	vimm.s32 $0x7F5E3D1C  }
0x41: {  	v27 =	vsel vm0, $0x185, v27;
	v30 =	vunpack.c.0.s8.s32 v30;
	v29 =	vsel vm7, v31, v29  }
0x42: {  	v31 =	vunpack.c.0.s8.s32 v32;
	v27 =	vsel vm2, $0x1A6, v27;
	v28 =	vsel vm6, $0x102, v28  }
0x43: {  	v32 =	vunpack.c.0.s8.s32 v58;
	v27 =	vsel vm5, $0x1C7, v27;
	v28 =	vsel vm4, $0x123, v28  }
0x44: {  	v29 =	vsel vm6, $0x103, v29;
	v30 =	vand.u32 $0xFF, v30;
	v31 =	vand.u32 $0xFF, v31  }
0x45: {  	v28 =	vsel vm3, $0x144, v28;
	v29 =	vsel vm4, $0x124, v29;
	v30 =	vnsel vm8, $0x1EB, v30  }
0x46: {  	v28 =	vsel vm1, $0x165, v28;
	v29 =	vsel vm3, $0x145, v29;
	v30 =	vsel vm7, v31, v30  }
0x47: {  	v31 =	vand.u32 $0xFF, v32;
	v32 =	vand.u32 $0xFF, v61;
	v28 =	vsel vm0, $0x186, v28  }
0x48: {  	v29 =	vsel vm1, $0x166, v29;
	v31 =	vnsel vm8, $0x1EC, v31;
	v32 =	vnsel vm8, $0x1ED, v32  }
0x49: {  	v28 =	vsel vm2, $0x1A7, v28;
	v30 =	vsel vm6, $0x104, v30;
	v29 =	vsel vm0, $0x187, v29  }
0x4a: {  	s3 =	rddreg [dreg:$0x0];
	v31 =	vsel vm7, v59, v31;
	v32 =	vsel vm7, v33, v32;
	v33 =	vunpack.c.0.s8.s32 v63  }
0x4b: {  	s5 =	rddreg [dreg:$0x1];
	v30 =	vsel vm4, $0x125, v30;
	v28 =	vsel vm5, $0x1C8, v28;
	v29 =	vsel vm2, $0x1A8, v29  }
0x4c: {  	s0 =	rddreg [dreg:$0x2];
	s4 =	srdreg.scid;
	v30 =	vsel vm3, $0x146, v30;
	v29 =	vsel vm5, $0x1C9, v29;
	v33 =	vand.u32 $0xFF, v33  }
0x4d: {  	s2 =	simm.s32 $0x0;
	s1 =	stileid.u32;
	s9 =	simm.s32 $0x1000;
	v31 =	vsel vm6, $0x105, v31;
	v32 =	vsel vm6, $0x106, v32;
	v33 =	vnsel vm8, $0x1EE, v33  }
0x4e: {  	s10 =	simm.s32 $0x1800;
	s11 =	simm.s32 $0x1;
	s12 =	simm.s32 $0x9800;
	v30 =	vsel vm1, $0x167, v30;
	v31 =	vsel vm4, $0x126, v31;
	v33 =	vsel vm7, v34, v33  }
0x4f: {  	s13 =	simm.s32 $0xB800;
	s14 =	simm.s32 $0x5800;
	s15 =	simm.s32 $0xD800;
	v32 =	vsel vm4, $0x127, v32;
	v30 =	vsel vm0, $0x188, v30;
	v33 =	vsel vm6, $0x107, v33  }
0x50: {  	s16 =	simm.s32 $0x0;
	s4 =	sand.u32 $0x1, s4;
	[smem:$0x7FF] =	sst s2;
	v31 =	vsel vm3, $0x147, v31;
	v32 =	vsel vm3, $0x148, v32;
	v33 =	vsel vm4, $0x128, v33  }
0x51: {  	s6 =	sshll.u32 s1, $0xA;
	s7 =	sshll.u32 s4, $0x9;
	s4 =	ssub.s32 $0x2, s4;
	v30 =	vsel vm2, $0x1A9, v30;
	v31 =	vsel vm1, $0x168, v31;
	v33 =	vsel vm3, $0x149, v33  }
0x52: {  	_ =	strace $0x80000047;
	s6 =	sor.u32 s7, s6;
	s8 =	sshrl.u32 s4, $0x1;
	v32 =	vsel vm1, $0x169, v32;
	v30 =	vsel vm5, $0x1CA, v30;
	v33 =	vsel vm1, $0x16A, v33  }
0x53: {  	s7 =	sadd.s32 s6, s3;
	s3 =	sadd.s32 $0x1313400, s3;
	s6 =	sshrl.u32 s6, $0x3;
	v31 =	vsel vm0, $0x189, v31;
	v32 =	vsel vm0, $0x18A, v32;
	v33 =	vsel vm0, $0x18B, v33  }
0x54: {  	s8 =	ssub.s32 s4, s8;
	s4 =	sadd.s32 $0x3DA00, s7;
	s5 =	sadd.s32 s5, s6;
	v31 =	vsel vm2, $0x1AA, v31;
	v32 =	vsel vm2, $0x1AB, v32;
	v33 =	vsel vm2, $0x1AC, v33  }
0x55: {  	s6 =	smax.u32 s8, $0x1;
	s7 =	simm.s32 $0x2;
	s8 =	simm.s32 $0x200;
	v31 =	vsel vm5, $0x1CB, v31;
	v32 =	vsel vm5, $0x1CC, v32;
	v33 =	vsel vm5, $0x1CD, v33  }
.LBB2_1:
0x56: {  	v34 =	vmov s2  }
0x57: {  	v34 =	vshll.u32 v34, $0x3  }
0x58: {  	v34 =	vor.u32 v1, v34  }
0x59: {  	[tilespmem:s2], [sflag:$0x2] =	stream.linear.gather [hbm4b:s4+s2], $0x1000, $0x38;
	v35 =	vor.u32 $0x1, v34;
	[tilespmem:$0xDA00] =	vst v63  }
0x5a: {  	_ =	swait.ge [sflag:s7], $0x1000  }
0x5b: {  	[sflag:s7] =	ssyncset.done $0x0  }
0x5c: {  	[sflag:s7] =	ssyncadd.s32 $0xFFFFF000  }
0x5d: {  	v36 =	vld.idx.msk [tilespmem:v34+s2+$0x0], $0xffff  }
0x5e: {  	v37 =	vld.idx.msk [tilespmem:v35+s2+$0x0], $0xffff  }
0x5f: {  	s17 =	simm.s32 $0x10  }
0x60: {  	v63 =	vmov s17  }
0x61: {  	v34 =	vshll.u32 v63, $0x3  }
0x62: {  	s17 =	simm.s32 $0x1200;
	v34 =	vor.u32 v1, v34;
	[tilespmem:s9+$0x0] =	vst v36  }
0x63: {  	s18 =	simm.s32 $0x1400;
	s20 =	simm.s32 $0x1600;
	s22 =	simm.s32 $0x20;
	v35 =	vor.u32 $0x1, v34;
	v36 =	vshra.s32 v36, $0x4;
	[tilespmem:s17+$0x0] =	vst v37  }
0x64: {  	s19 =	simm.s32 $0x1410;
	s21 =	simm.s32 $0x1000;
	[tilespmem:s18+$0x0] =	vst v36;
	v36 =	vshra.s32 v37, $0x4;
	s18 =	simm.s32 $0x1610  }
.LBB2_2:
0x65: {  	s21 =	sadd.s32 $0x10, s21;
	s17 =	sadd.s32 $0x10, s17  }
0x66: {  	[tilespmem:s20+$0x0] =	vst v36;
	s23 =	smov.u32 s22;
	s24 =	sadd.s32 $0x10, s22;
	s20 =	smov.u32 s18  }
0x67: {  	p0 =	sne.s32 s22, $0x1F0;
	v36 =	vld.idx.msk [tilespmem:v34+s2+$0x0], $0xffff  }
0x68: {  	v37 =	vld.idx.msk [tilespmem:v35+s2+$0x0], $0xffff;
	_ =	sdelay $0x1  }
0x69: {  	v34 =	vmov s23  }
.Ltmp0:
0x6a: {  	v34 =	vshll.u32 v34, $0x3;
	(pc) =	sbr.rel @p0 .LBB2_2-.Ltmp0, $4  }
0x6b: {  	v34 =	vor.u32 v1, v34  }
0x6c: {  	v35 =	vor.u32 $0x1, v34;
	[tilespmem:s21+$0x0] =	vst v36  }
0x6d: {  	v36 =	vshra.s32 v36, $0x4;
	[tilespmem:s17+$0x0] =	vst v37  }
0x6e: {  	s18 =	sadd.s32 $0x10, s18;
	s22 =	smov.u32 s24;
	[tilespmem:s19+$0x0] =	vst v36;
	v36 =	vshra.s32 v37, $0x4;
	s19 =	sadd.s32 $0x10, s19  }
0x6f: {  	_ =	sdelay $0x2  }
0x70: {  	[tilespmem:s20+$0x0] =	vst v36  }
0x71: {  	v34 =	vld.idx.msk [tilespmem:v34+s2+$0x0], $0xffff  }
0x72: {  	v35 =	vld.idx.msk [tilespmem:v35+s2+$0x0], $0xffff;
	_ =	sdelay $0x2  }
0x73: {  	s31 =	sadd.s32 $0x10, s21  }
0x74: {  	s17 =	sadd.s32 $0x10, s17;
	[tilespmem:s31+$0x0] =	vst v34  }
0x75: {  	v34 =	vshra.s32 v34, $0x4;
	[tilespmem:s17+$0x0] =	vst v35  }
0x76: {  	v51 =	vshra.s32 v35, $0x4;
	[tilespmem:s19+$0x0] =	vst v34  }
0x77: {  	[tilespmem:s18+$0x0] =	vst v51  }
0x78: {  	[tilespmem:s10], [sflag:$0x1] =	stream.indirect.gather [hbm4b:s3+s8], $0x20, s9, s8, $0xb8;
	[tilespmem:$0xDA00] =	vst v63  }
0x79: {  	_ =	swait.ge [sflag:s11], $0x4000  }
0x7a: {  	[sflag:s11] =	ssyncset.done $0x0  }
0x7b: {  	[sflag:s11] =	ssyncadd.s32 $0xFFFFC000  }
0x7c: {  	v52 =	vld [tilespmem:$0x1000]  }
0x7d: {  	v53 =	vld [tilespmem:$0x1200];
	_ =	sdelay $0x3  }
0x7e: {  	v34 =	vand.u32 $0xF, v52  }
0x7f: {  	v35 =	vand.u32 $0xF, v53;
	v34 =	vor.u32 v2, v34  }
0x80: {  	v35 =	vor.u32 v2, v35;
	_ =	sdelay $0x1  }
0x81: {  	v54 =	vld.idx.msk [tilespmem:v0+s10+$0x0], $0xffff  }
0x82: {  	v37 =	vld.idx.msk [tilespmem:v0+s14+$0x0], $0xffff  }
0x83: {  	v34 =	vld.idx.msk [tilespmem:v34+s12+$0x0], $0xffff  }
0x84: {  	v35 =	vld.idx.msk [tilespmem:v35+s13+$0x0], $0xffff  }
0x85: {  	v38 =	vld.idx.msk [tilespmem:v3+s10+$0x0], $0xffff  }
0x86: {  	v39 =	vld.idx.msk [tilespmem:v3+s14+$0x0], $0xffff  }
0x87: {  	v40 =	vld.idx.msk [tilespmem:v4+s10+$0x0], $0xffff  }
0x88: {  	v41 =	vld.idx.msk [tilespmem:v4+s14+$0x0], $0xffff  }
0x89: {  	v56 =	vld.idx.msk [tilespmem:v5+s10+$0x0], $0xffff;
	v55 =	vmul.f32 v37, v54;
	v34 =	vadd.f32 v35, v34  }
0x8a: {  	v57 =	vld.idx.msk [tilespmem:v5+s14+$0x0], $0xffff  }
0x8b: {  	v59 =	vld.idx.msk [tilespmem:v6+s10+$0x0], $0xffff;
	v58 =	vmul.f32 v39, v38;
	v34 =	vadd.f32 v55, v34  }
0x8c: {  	v60 =	vld.idx.msk [tilespmem:v6+s14+$0x0], $0xffff  }
0x8d: {  	v62 =	vld.idx.msk [tilespmem:v7+s10+$0x0], $0xffff;
	v61 =	vmul.f32 v41, v40;
	v34 =	vadd.f32 v58, v34  }
0x8e: {  	v63 =	vld.idx.msk [tilespmem:v7+s14+$0x0], $0xffff  }
0x8f: {  	v44 =	vld.idx.msk [tilespmem:v8+s10+$0x0], $0xffff;
	v43 =	vmul.f32 v57, v56;
	v34 =	vadd.f32 v61, v34  }
0x90: {  	v45 =	vld.idx.msk [tilespmem:v8+s14+$0x0], $0xffff  }
0x91: {  	v47 =	vld.idx.msk [tilespmem:v9+s10+$0x0], $0xffff;
	v46 =	vmul.f32 v60, v59;
	v34 =	vadd.f32 v43, v34  }
0x92: {  	v48 =	vld.idx.msk [tilespmem:v9+s14+$0x0], $0xffff  }
0x93: {  	v50 =	vld.idx.msk [tilespmem:v10+s10+$0x0], $0xffff;
	v49 =	vmul.f32 v63, v62;
	v34 =	vadd.f32 v46, v34  }
0x94: {  	v51 =	vld.idx.msk [tilespmem:v10+s14+$0x0], $0xffff  }
0x95: {  	v52 =	vmul.f32 v45, v44;
	v53 =	vld.idx.msk [tilespmem:v11+s10+$0x0], $0xffff;
	v34 =	vadd.f32 v49, v34  }
0x96: {  	v54 =	vld.idx.msk [tilespmem:v11+s14+$0x0], $0xffff  }
0x97: {  	v56 =	vld.idx.msk [tilespmem:v12+s10+$0x0], $0xffff;
	v55 =	vmul.f32 v48, v47;
	v34 =	vadd.f32 v52, v34  }
0x98: {  	v57 =	vld.idx.msk [tilespmem:v12+s14+$0x0], $0xffff  }
0x99: {  	v59 =	vld.idx.msk [tilespmem:v13+s10+$0x0], $0xffff;
	v58 =	vmul.f32 v51, v50;
	v34 =	vadd.f32 v55, v34  }
0x9a: {  	v60 =	vld.idx.msk [tilespmem:v13+s14+$0x0], $0xffff  }
0x9b: {  	v62 =	vld.idx.msk [tilespmem:v14+s10+$0x0], $0xffff;
	v61 =	vmul.f32 v54, v53;
	v34 =	vadd.f32 v58, v34  }
0x9c: {  	v63 =	vld.idx.msk [tilespmem:v14+s14+$0x0], $0xffff  }
0x9d: {  	v45 =	vld.idx.msk [tilespmem:v15+s10+$0x0], $0xffff;
	v44 =	vmul.f32 v57, v56;
	v34 =	vadd.f32 v61, v34  }
0x9e: {  	v46 =	vld.idx.msk [tilespmem:v15+s14+$0x0], $0xffff  }
0x9f: {  	v47 =	vmul.f32 v60, v59;
	v48 =	vld.idx.msk [tilespmem:v16+s10+$0x0], $0xffff;
	v34 =	vadd.f32 v44, v34  }
0xa0: {  	v49 =	vld.idx.msk [tilespmem:v16+s14+$0x0], $0xffff  }
0xa1: {  	v50 =	vmul.f32 v63, v62;
	v51 =	vld.idx.msk [tilespmem:v17+s10+$0x0], $0xffff;
	v34 =	vadd.f32 v47, v34  }
0xa2: {  	v52 =	vld.idx.msk [tilespmem:v17+s14+$0x0], $0xffff  }
0xa3: {  	v54 =	vld.idx.msk [tilespmem:v18+s10+$0x0], $0xffff;
	v53 =	vmul.f32 v46, v45;
	v34 =	vadd.f32 v50, v34  }
0xa4: {  	v55 =	vld.idx.msk [tilespmem:v18+s14+$0x0], $0xffff  }
0xa5: {  	v57 =	vld.idx.msk [tilespmem:v19+s10+$0x0], $0xffff;
	v56 =	vmul.f32 v49, v48;
	v34 =	vadd.f32 v53, v34  }
0xa6: {  	v58 =	vld.idx.msk [tilespmem:v19+s14+$0x0], $0xffff  }
0xa7: {  	v60 =	vld.idx.msk [tilespmem:v20+s10+$0x0], $0xffff;
	v59 =	vmul.f32 v52, v51;
	v34 =	vadd.f32 v56, v34  }
0xa8: {  	v61 =	vld.idx.msk [tilespmem:v20+s14+$0x0], $0xffff  }
0xa9: {  	v63 =	vld.idx.msk [tilespmem:v21+s10+$0x0], $0xffff;
	v62 =	vmul.f32 v55, v54;
	v34 =	vadd.f32 v59, v34  }
0xaa: {  	v44 =	vld.idx.msk [tilespmem:v21+s14+$0x0], $0xffff  }
0xab: {  	v46 =	vld.idx.msk [tilespmem:v22+s10+$0x0], $0xffff;
	v45 =	vmul.f32 v58, v57;
	v34 =	vadd.f32 v62, v34  }
0xac: {  	v47 =	vld.idx.msk [tilespmem:v22+s14+$0x0], $0xffff  }
0xad: {  	v49 =	vld.idx.msk [tilespmem:v23+s10+$0x0], $0xffff;
	v48 =	vmul.f32 v61, v60;
	v34 =	vadd.f32 v45, v34  }
0xae: {  	v50 =	vld.idx.msk [tilespmem:v23+s14+$0x0], $0xffff  }
0xaf: {  	v52 =	vld.idx.msk [tilespmem:v24+s10+$0x0], $0xffff;
	v51 =	vmul.f32 v44, v63;
	v34 =	vadd.f32 v48, v34  }
0xb0: {  	v53 =	vld.idx.msk [tilespmem:v24+s14+$0x0], $0xffff  }
0xb1: {  	v55 =	vld.idx.msk [tilespmem:v25+s10+$0x0], $0xffff;
	v54 =	vmul.f32 v47, v46;
	v34 =	vadd.f32 v51, v34  }
0xb2: {  	v56 =	vld.idx.msk [tilespmem:v25+s14+$0x0], $0xffff  }
0xb3: {  	v58 =	vld.idx.msk [tilespmem:v26+s10+$0x0], $0xffff;
	v57 =	vmul.f32 v50, v49;
	v34 =	vadd.f32 v54, v34  }
0xb4: {  	v59 =	vld.idx.msk [tilespmem:v26+s14+$0x0], $0xffff  }
0xb5: {  	v61 =	vld.idx.msk [tilespmem:v27+s10+$0x0], $0xffff;
	v60 =	vmul.f32 v53, v52;
	v34 =	vadd.f32 v57, v34  }
0xb6: {  	v62 =	vld.idx.msk [tilespmem:v27+s14+$0x0], $0xffff  }
0xb7: {  	v44 =	vld.idx.msk [tilespmem:v28+s10+$0x0], $0xffff;
	v63 =	vmul.f32 v56, v55;
	v34 =	vadd.f32 v60, v34  }
0xb8: {  	v45 =	vld.idx.msk [tilespmem:v28+s14+$0x0], $0xffff  }
0xb9: {  	v47 =	vld.idx.msk [tilespmem:v29+s10+$0x0], $0xffff;
	v46 =	vmul.f32 v59, v58;
	v34 =	vadd.f32 v63, v34  }
0xba: {  	v48 =	vld.idx.msk [tilespmem:v29+s14+$0x0], $0xffff  }
0xbb: {  	v50 =	vld.idx.msk [tilespmem:v30+s10+$0x0], $0xffff;
	v49 =	vmul.f32 v62, v61;
	v34 =	vadd.f32 v46, v34  }
0xbc: {  	v51 =	vld.idx.msk [tilespmem:v30+s14+$0x0], $0xffff  }
0xbd: {  	v53 =	vld.idx.msk [tilespmem:v31+s10+$0x0], $0xffff;
	v52 =	vmul.f32 v45, v44;
	v34 =	vadd.f32 v49, v34  }
0xbe: {  	v54 =	vld.idx.msk [tilespmem:v31+s14+$0x0], $0xffff  }
0xbf: {  	v56 =	vld.idx.msk [tilespmem:v32+s10+$0x0], $0xffff;
	v55 =	vmul.f32 v48, v47;
	v34 =	vadd.f32 v52, v34  }
0xc0: {  	v57 =	vld.idx.msk [tilespmem:v32+s14+$0x0], $0xffff  }
0xc1: {  	v59 =	vld.idx.msk [tilespmem:v33+s10+$0x0], $0xffff;
	v58 =	vmul.f32 v51, v50;
	v34 =	vadd.f32 v55, v34  }
0xc2: {  	v60 =	vld.idx.msk [tilespmem:v33+s14+$0x0], $0xffff  }
0xc3: {  	v61 =	vmul.f32 v54, v53;
	v34 =	vadd.f32 v58, v34;
	_ =	sdelay $0x1  }
0xc4: {  	v62 =	vmul.f32 v57, v56;
	v34 =	vadd.f32 v61, v34;
	_ =	sdelay $0x1  }
0xc5: {  	v63 =	vmul.f32 v60, v59;
	v34 =	vadd.f32 v62, v34;
	_ =	sdelay $0x1  }
0xc6: {  	s16 =	sadd.s32 $0x1, s16;
	v34 =	vadd.f32 v63, v34  }
0xc7: {  	p0 =	sne.s32 s16, s6  }
.Ltmp1:
0xc8: {  	[tilespmem:$0xD800] =	vst v34;
	(pc) =	sbr.rel @p0 .LBB2_1-.Ltmp1, $4  }
0xc9: {  	[hbm4b:s5+s2] =	stream.linear.scatter [tilespmem:s15], [sflag:$0x2], $0x200, $0x38;
	[tilespmem:$0xDA00] =	vst v63  }
0xca: {  	_ =	swait.ge [sflag:s7], $0x200  }
0xcb: {  	[sflag:s7] =	ssyncset.done $0x0  }
0xcc: {  	[sflag:s7] =	ssyncadd.s32 $0xFFFFFE00  }
0xcd: {  	_ =	sfence.sel $0x180000  }
0xce: {  	[bflag:$0x0] =	sbarrier.arrive $0xFFFF  }
0xcf: {  	p0 =	sne.s32 s1, $0x0;
	_ =	strace $0x90000047  }
0xd0: {  	s0 =	sadd.s32 @!p0 $0x100000, s0;
	[bflag:$0x2] =	sbarrier.arrive $0xFFFF  }
0xd1: {  	[sflag:s0] =	ssyncadd.tile.s32 @!p0 $0x1;
	_ =	shalt  }
.Lfunc_end2:
_tile_overlayer_lowered:
.L_overlay_start_2:
0xd2: {  	(tag) =	ssettag $0x2  }
0xd3: {  	s0 =	rddreg [dreg:$0x0];
	s2 =	stileid.u32  }
0xd4: {  	s1 =	rddreg [dreg:$0x1];
	p0 =	sne.s32 s2, $0x0  }
0xd5: {  	s3 =	rddreg [dreg:$0x2];
	[bflag:$0x3] =	sbarrier.arrive $0xFFFF;
	s2 =	simm.s32 @!p0 $0x1C02  }
0xd6: {  	[timem:s3], [sflag:s2] =	dma.local @!p0 [hbm:s0], s1  }
0xd7: {  	s0 =	simm.s32 @!p0 $0x2  }
0xd8: {  	_ =	swait.ge @!p0 [sflag:s0], s1  }
0xd9: {  	s1 =	ssub.s32 @!p0 $0x0, s1;
	[sflag:s0] =	ssyncset.done @!p0 $0x0  }
0xda: {  	[sflag:s0] =	ssyncadd.s32 @!p0 s1  }
0xdb: {  	[bflag:$0x3] =	sbarrier.arrive $0xFFFF  }
0xdc: {  	_ =	shalt  }

</sc_bundles>
